<compile_context>
chip_gen: v7x
topology: tpu7x:2x2x1
jax: 0.10.2.dev20260603
libtpu: 0.0.44.dev20260713+nightly
codegen_flags: <defaults>
</compile_context>

<pallas_src>
import functools

import jax
import jax.numpy as jnp
from jax import lax
from jax.experimental import pallas as pl
from jax.experimental.pallas import tpu as pltpu
from jax.experimental.pallas import tpu_sc as plsc

_HIDDEN = 64
_NW = 32
_NBUF = 4
_LOOK = 2


@functools.partial(jax.jit, static_argnames=("seq",))
def _embed_gather(ids_in, table, seq):
    batch, seq_pad = ids_in.shape
    nb = batch // _NW
    h1 = 104
    h2 = seq - h1
    mesh = plsc.VectorSubcoreMesh(core_axis_name="c", subcore_axis_name="s")

    @functools.partial(
        pl.kernel,
        out_type=jax.ShapeDtypeStruct((batch, seq, _HIDDEN), jnp.float32),
        mesh=mesh,
        scratch_types=[
            pltpu.VMEM((nb, seq_pad), jnp.int32),
            pltpu.VMEM((_NBUF, seq, _HIDDEN), jnp.float32),
            pltpu.SemaphoreType.DMA((_NBUF,)),
            pltpu.SemaphoreType.DMA((_NBUF,)),
        ],
        compiler_params=pltpu.CompilerParams(use_tc_tiling_on_sc=False),
    )
    def k(ids_hbm, table_hbm, out_hbm, idx_v, rows_v, gsem, ssem):
        wid = lax.axis_index("s") * 2 + lax.axis_index("c")
        b0 = wid * nb
        pltpu.sync_copy(ids_hbm.at[pl.ds(b0, nb), :], idx_v)

        def gather_descs(j, b):
            return (
                pltpu.make_async_copy(
                    table_hbm.at[idx_v.at[j, pl.ds(0, h1)]],
                    rows_v.at[b, pl.ds(0, h1)],
                    gsem.at[b],
                ),
                pltpu.make_async_copy(
                    table_hbm.at[idx_v.at[j, pl.ds(h1, h2)]],
                    rows_v.at[b, pl.ds(h1, h2)],
                    gsem.at[b],
                ),
            )

        def store_desc(j, b):
            return pltpu.make_async_copy(
                rows_v.at[b], out_hbm.at[b0 + j], ssem.at[b])

        for j in range(_LOOK):
            for d in gather_descs(j, j % _NBUF):
                d.start()

        def slot(j, b, first, last):
            for d in gather_descs(j, b):
                d.wait()
            store_desc(j, b).start()
            jn = j + _LOOK
            bn = (b + _LOOK) % _NBUF
            if not first:
                store_desc(jn - _NBUF, bn).wait()
            if not last:
                for d in gather_descs(jn, bn):
                    d.start()

        for b in range(_NBUF):
            slot(b, b, first=(b < _LOOK), last=False)

        @pl.loop(_NBUF, nb - _NBUF, step=_NBUF)
        def _(g):
            for b in range(_NBUF):
                slot(g + b, b, first=False, last=False)

        g_last = nb - _NBUF
        for b in range(_NBUF):
            slot(g_last + b, b, first=False, last=(b >= _NBUF - _LOOK))

        for b in range(_NBUF - _LOOK, _NBUF):
            store_desc(g_last + b, b).wait()

    return k(ids_in, table)


def kernel(input_ids, table):
    batch, seq = input_ids.shape
    ids_pad = jnp.pad(input_ids, ((0, 0), (0, 256 - seq)))
    return _embed_gather(ids_pad, table, seq)

# --- scband reference (transcript-rebuilt; emitter-appended) ---
"""Pipeline reference for scband-test-qwen3-5-text-model-9826885173521 (READ-ONLY COPY).

The authoritative reference and input builder live on the scoring server;
editing this copy changes nothing except your own understanding.
"""

import jax, jax.numpy as jnp
import numpy as np

VOCAB = 1000000
HIDDEN = 64
PAD_ID = 0
BATCH = 4096
SEQ = 200


def setup_inputs(seed: int = 0) -> dict:
    key = jax.random.key(seed)
    k1, k2 = jax.random.split(key)
    input_ids = jax.random.randint(k1, (BATCH, SEQ), 0, VOCAB, dtype=jnp.int32)
    table = jax.random.normal(k2, (VOCAB, HIDDEN), dtype=jnp.float32)
    # nn.Embedding with padding_idx initializes the pad row to zeros
    table = table.at[PAD_ID].set(0.0)
    return {"input_ids": input_ids, "table": table}


def reference(input_ids, table):
    # inputs_embeds = self.embed_tokens(input_ids)
    inputs_embeds = jnp.take(table, input_ids, axis=0)
    # returns {'last_hidden_state': inputs_embeds}; we return the array
    return inputs_embeds

if __name__ == "__main__":
    import jax
    _d = setup_inputs()
    print(jax.jit(kernel)(*tuple(_d.values())))

</pallas_src>

<mosaic_0001>
#map = affine_map<(d0, d1) -> (0, 0)>
#map1 = affine_map<(d0, d1) -> (0, 0, 0)>
module attributes {stable_mosaic.version = 14 : i64} {
  func.func @k(%arg0: i32, %arg1: i32, %arg2: memref<4096x256xi32, #tpu.memory_space<hbm>>, %arg3: memref<1000000x64xf32, #tpu.memory_space<hbm>>, %arg4: memref<4096x200x64xf32, #tpu.memory_space<hbm>>, %arg5: memref<128x256xi32, #tpu.memory_space<vmem>>, %arg6: memref<4x200x64xf32, #tpu.memory_space<vmem>>, %arg7: memref<4x!tpu.dma_semaphore, #tpu.memory_space<semaphore_mem>>, %arg8: memref<4x!tpu.dma_semaphore, #tpu.memory_space<semaphore_mem>>) attributes {dimension_semantics = [#tpu.dimension_semantics<core_parallel>, #tpu.dimension_semantics<subcore_parallel>], iteration_bounds = array<i64: 2, 16>, scalar_prefetch = 0 : i64, scratch_operands = 4 : i64, tpu.core_type = #tpu.core_type<sc_vector_subcore>, window_params = [{transform_indices = #map}, {transform_indices = #map}, {transform_indices = #map1}]} {
    %mul3A = arith.constant 2 : i32
    %mul3A_0 = arith.muli %arg1, %mul3A : i32
    %add3A = arith.addi %mul3A_0, %arg0 : i32
    %mul3A_1 = arith.constant 128 : i32
    %mul3A_2 = arith.muli %add3A, %mul3A_1 : i32
    "tpu.region"() ({
      %run_scoped3A = tpu.sem_alloc : memref<!tpu.dma_semaphore, #tpu.memory_space<semaphore_mem>>
      %dma_start3A_837 = arith.constant 0 : i32
      %dma_start3A_838 = tpu.memref_slice %arg2[%mul3A_2, %dma_start3A_837] : memref<4096x256xi32, #tpu.memory_space<hbm>> -> memref<128x256xi32, #tpu.memory_space<hbm>>
      %dma_start3A_839 = arith.constant 0 : i32
      %dma_start3A_840 = tpu.memref_slice %arg2[%mul3A_2, %dma_start3A_839] : memref<4096x256xi32, #tpu.memory_space<hbm>> -> memref<128x256xi32, #tpu.memory_space<hbm>>
      tpu.enqueue_dma source(%dma_start3A_840 : memref<128x256xi32, #tpu.memory_space<hbm>>) target(%arg5 : memref<128x256xi32, #tpu.memory_space<vmem>>) target_semaphore(%run_scoped3A : memref<!tpu.dma_semaphore, #tpu.memory_space<semaphore_mem>>)
      %dma_wait3A_841 = arith.constant 0 : i32
      %dma_wait3A_842 = tpu.memref_slice %arg2[%mul3A_2, %dma_wait3A_841] : memref<4096x256xi32, #tpu.memory_space<hbm>> -> memref<128x256xi32, #tpu.memory_space<hbm>>
      %dma_wait3A_843 = arith.constant 0 : i32
      %dma_wait3A_844 = tpu.memref_slice %arg2[%mul3A_2, %dma_wait3A_843] : memref<4096x256xi32, #tpu.memory_space<hbm>> -> memref<128x256xi32, #tpu.memory_space<hbm>>
      tpu.wait_dma2 semaphore(%run_scoped3A : memref<!tpu.dma_semaphore, #tpu.memory_space<semaphore_mem>>) src(%dma_wait3A_844 : memref<128x256xi32, #tpu.memory_space<hbm>>) dst(%arg5 : memref<128x256xi32, #tpu.memory_space<vmem>>)
      tpu.yield
    }) : () -> ()
    %dma_start3A = arith.constant 0 : i32
    %dma_start3A_3 = arith.constant 0 : i32
    %dma_start3A_4 = arith.constant 0 : i32
    %dma_start3A_5 = arith.constant 0 : i32
    %dma_start3A_6 = arith.constant 0 : i32
    %dma_start3A_7 = tpu.memref_slice %arg6[%dma_start3A_3, %dma_start3A_5, %dma_start3A_6] : memref<4x200x64xf32, #tpu.memory_space<vmem>> -> memref<1x104x64xf32, #tpu.memory_space<vmem>>
    %dma_start3A_8 = tpu.memref_squeeze %dma_start3A_7 : memref<1x104x64xf32, #tpu.memory_space<vmem>> -> memref<104x64xf32, #tpu.memory_space<vmem>>
    %dma_start3A_9 = arith.constant 0 : i32
    %dma_start3A_10 = tpu.memref_slice %arg5[%dma_start3A, %dma_start3A_9] : memref<128x256xi32, #tpu.memory_space<vmem>> -> memref<1x104xi32, #tpu.memory_space<vmem>>
    %dma_start3A_11 = tpu.memref_squeeze %dma_start3A_10 : memref<1x104xi32, #tpu.memory_space<vmem>> -> memref<104xi32, #tpu.memory_space<vmem>>
    %dma_start3A_12 = arith.constant 0 : i32
    %dma_start3A_13 = arith.constant 0 : i32
    %dma_start3A_14 = tpu.memref_slice %arg3[%dma_start3A_12, %dma_start3A_13] : memref<1000000x64xf32, #tpu.memory_space<hbm>> -> memref<1000000x64xf32, #tpu.memory_space<hbm>>
    %dma_start3A_15 = tpu.memref_slice %arg7[%dma_start3A_4] : memref<4x!tpu.dma_semaphore, #tpu.memory_space<semaphore_mem>> -> memref<1x!tpu.dma_semaphore, #tpu.memory_space<semaphore_mem>>
    %dma_start3A_16 = tpu.memref_squeeze %dma_start3A_15 : memref<1x!tpu.dma_semaphore, #tpu.memory_space<semaphore_mem>> -> memref<!tpu.dma_semaphore, #tpu.memory_space<semaphore_mem>>
    tpu.enqueue_indirect_dma source(%dma_start3A_14 : memref<1000000x64xf32, #tpu.memory_space<hbm>>) target(%dma_start3A_8 : memref<104x64xf32, #tpu.memory_space<vmem>>) offsets(%dma_start3A_11 : memref<104xi32, #tpu.memory_space<vmem>>) semaphore(%dma_start3A_16 : memref<!tpu.dma_semaphore, #tpu.memory_space<semaphore_mem>>)
    %dma_start3A_17 = arith.constant 0 : i32
    %dma_start3A_18 = arith.constant 0 : i32
    %dma_start3A_19 = arith.constant 0 : i32
    %dma_start3A_20 = arith.constant 104 : i32
    %dma_start3A_21 = arith.constant 0 : i32
    %dma_start3A_22 = tpu.memref_slice %arg6[%dma_start3A_18, %dma_start3A_20, %dma_start3A_21] : memref<4x200x64xf32, #tpu.memory_space<vmem>> -> memref<1x96x64xf32, #tpu.memory_space<vmem>>
    %dma_start3A_23 = tpu.memref_squeeze %dma_start3A_22 : memref<1x96x64xf32, #tpu.memory_space<vmem>> -> memref<96x64xf32, #tpu.memory_space<vmem>>
    %dma_start3A_24 = arith.constant 104 : i32
    %dma_start3A_25 = tpu.memref_slice %arg5[%dma_start3A_17, %dma_start3A_24] : memref<128x256xi32, #tpu.memory_space<vmem>> -> memref<1x96xi32, #tpu.memory_space<vmem>>
    %dma_start3A_26 = tpu.memref_squeeze %dma_start3A_25 : memref<1x96xi32, #tpu.memory_space<vmem>> -> memref<96xi32, #tpu.memory_space<vmem>>
    %dma_start3A_27 = arith.constant 0 : i32
    %dma_start3A_28 = arith.constant 0 : i32
    %dma_start3A_29 = tpu.memref_slice %arg3[%dma_start3A_27, %dma_start3A_28] : memref<1000000x64xf32, #tpu.memory_space<hbm>> -> memref<1000000x64xf32, #tpu.memory_space<hbm>>
    %dma_start3A_30 = tpu.memref_slice %arg7[%dma_start3A_19] : memref<4x!tpu.dma_semaphore, #tpu.memory_space<semaphore_mem>> -> memref<1x!tpu.dma_semaphore, #tpu.memory_space<semaphore_mem>>
    %dma_start3A_31 = tpu.memref_squeeze %dma_start3A_30 : memref<1x!tpu.dma_semaphore, #tpu.memory_space<semaphore_mem>> -> memref<!tpu.dma_semaphore, #tpu.memory_space<semaphore_mem>>
    tpu.enqueue_indirect_dma source(%dma_start3A_29 : memref<1000000x64xf32, #tpu.memory_space<hbm>>) target(%dma_start3A_23 : memref<96x64xf32, #tpu.memory_space<vmem>>) offsets(%dma_start3A_26 : memref<96xi32, #tpu.memory_space<vmem>>) semaphore(%dma_start3A_31 : memref<!tpu.dma_semaphore, #tpu.memory_space<semaphore_mem>>)
    %dma_start3A_32 = arith.constant 1 : i32
    %dma_start3A_33 = arith.constant 1 : i32
    %dma_start3A_34 = arith.constant 1 : i32
    %dma_start3A_35 = arith.constant 0 : i32
    %dma_start3A_36 = arith.constant 0 : i32
    %dma_start3A_37 = tpu.memref_slice %arg6[%dma_start3A_33, %dma_start3A_35, %dma_start3A_36] : memref<4x200x64xf32, #tpu.memory_space<vmem>> -> memref<1x104x64xf32, #tpu.memory_space<vmem>>
    %dma_start3A_38 = tpu.memref_squeeze %dma_start3A_37 : memref<1x104x64xf32, #tpu.memory_space<vmem>> -> memref<104x64xf32, #tpu.memory_space<vmem>>
    %dma_start3A_39 = arith.constant 0 : i32
    %dma_start3A_40 = tpu.memref_slice %arg5[%dma_start3A_32, %dma_start3A_39] : memref<128x256xi32, #tpu.memory_space<vmem>> -> memref<1x104xi32, #tpu.memory_space<vmem>>
    %dma_start3A_41 = tpu.memref_squeeze %dma_start3A_40 : memref<1x104xi32, #tpu.memory_space<vmem>> -> memref<104xi32, #tpu.memory_space<vmem>>
    %dma_start3A_42 = arith.constant 0 : i32
    %dma_start3A_43 = arith.constant 0 : i32
    %dma_start3A_44 = tpu.memref_slice %arg3[%dma_start3A_42, %dma_start3A_43] : memref<1000000x64xf32, #tpu.memory_space<hbm>> -> memref<1000000x64xf32, #tpu.memory_space<hbm>>
    %dma_start3A_45 = tpu.memref_slice %arg7[%dma_start3A_34] : memref<4x!tpu.dma_semaphore, #tpu.memory_space<semaphore_mem>> -> memref<1x!tpu.dma_semaphore, #tpu.memory_space<semaphore_mem>>
    %dma_start3A_46 = tpu.memref_squeeze %dma_start3A_45 : memref<1x!tpu.dma_semaphore, #tpu.memory_space<semaphore_mem>> -> memref<!tpu.dma_semaphore, #tpu.memory_space<semaphore_mem>>
    tpu.enqueue_indirect_dma source(%dma_start3A_44 : memref<1000000x64xf32, #tpu.memory_space<hbm>>) target(%dma_start3A_38 : memref<104x64xf32, #tpu.memory_space<vmem>>) offsets(%dma_start3A_41 : memref<104xi32, #tpu.memory_space<vmem>>) semaphore(%dma_start3A_46 : memref<!tpu.dma_semaphore, #tpu.memory_space<semaphore_mem>>)
    %dma_start3A_47 = arith.constant 1 : i32
    %dma_start3A_48 = arith.constant 1 : i32
    %dma_start3A_49 = arith.constant 1 : i32
    %dma_start3A_50 = arith.constant 104 : i32
    %dma_start3A_51 = arith.constant 0 : i32
    %dma_start3A_52 = tpu.memref_slice %arg6[%dma_start3A_48, %dma_start3A_50, %dma_start3A_51] : memref<4x200x64xf32, #tpu.memory_space<vmem>> -> memref<1x96x64xf32, #tpu.memory_space<vmem>>
    %dma_start3A_53 = tpu.memref_squeeze %dma_start3A_52 : memref<1x96x64xf32, #tpu.memory_space<vmem>> -> memref<96x64xf32, #tpu.memory_space<vmem>>
    %dma_start3A_54 = arith.constant 104 : i32
    %dma_start3A_55 = tpu.memref_slice %arg5[%dma_start3A_47, %dma_start3A_54] : memref<128x256xi32, #tpu.memory_space<vmem>> -> memref<1x96xi32, #tpu.memory_space<vmem>>
    %dma_start3A_56 = tpu.memref_squeeze %dma_start3A_55 : memref<1x96xi32, #tpu.memory_space<vmem>> -> memref<96xi32, #tpu.memory_space<vmem>>
    %dma_start3A_57 = arith.constant 0 : i32
    %dma_start3A_58 = arith.constant 0 : i32
    %dma_start3A_59 = tpu.memref_slice %arg3[%dma_start3A_57, %dma_start3A_58] : memref<1000000x64xf32, #tpu.memory_space<hbm>> -> memref<1000000x64xf32, #tpu.memory_space<hbm>>
    %dma_start3A_60 = tpu.memref_slice %arg7[%dma_start3A_49] : memref<4x!tpu.dma_semaphore, #tpu.memory_space<semaphore_mem>> -> memref<1x!tpu.dma_semaphore, #tpu.memory_space<semaphore_mem>>
    %dma_start3A_61 = tpu.memref_squeeze %dma_start3A_60 : memref<1x!tpu.dma_semaphore, #tpu.memory_space<semaphore_mem>> -> memref<!tpu.dma_semaphore, #tpu.memory_space<semaphore_mem>>
    tpu.enqueue_indirect_dma source(%dma_start3A_59 : memref<1000000x64xf32, #tpu.memory_space<hbm>>) target(%dma_start3A_53 : memref<96x64xf32, #tpu.memory_space<vmem>>) offsets(%dma_start3A_56 : memref<96xi32, #tpu.memory_space<vmem>>) semaphore(%dma_start3A_61 : memref<!tpu.dma_semaphore, #tpu.memory_space<semaphore_mem>>)
    %dma_wait3A = arith.constant 0 : i32
    %dma_wait3A_62 = arith.constant 0 : i32
    %dma_wait3A_63 = arith.constant 0 : i32
    %dma_wait3A_64 = arith.constant 0 : i32
    %dma_wait3A_65 = arith.constant 0 : i32
    %dma_wait3A_66 = tpu.memref_slice %arg6[%dma_wait3A_62, %dma_wait3A_64, %dma_wait3A_65] : memref<4x200x64xf32, #tpu.memory_space<vmem>> -> memref<1x104x64xf32, #tpu.memory_space<vmem>>
    %dma_wait3A_67 = tpu.memref_squeeze %dma_wait3A_66 : memref<1x104x64xf32, #tpu.memory_space<vmem>> -> memref<104x64xf32, #tpu.memory_space<vmem>>
    %dma_wait3A_68 = arith.constant 0 : i32
    %dma_wait3A_69 = tpu.memref_slice %arg5[%dma_wait3A, %dma_wait3A_68] : memref<128x256xi32, #tpu.memory_space<vmem>> -> memref<1x104xi32, #tpu.memory_space<vmem>>
    %dma_wait3A_70 = tpu.memref_squeeze %dma_wait3A_69 : memref<1x104xi32, #tpu.memory_space<vmem>> -> memref<104xi32, #tpu.memory_space<vmem>>
    %dma_wait3A_71 = arith.constant 0 : i32
    %dma_wait3A_72 = arith.constant 0 : i32
    %dma_wait3A_73 = tpu.memref_slice %arg3[%dma_wait3A_71, %dma_wait3A_72] : memref<1000000x64xf32, #tpu.memory_space<hbm>> -> memref<1000000x64xf32, #tpu.memory_space<hbm>>
    %dma_wait3A_74 = tpu.memref_slice %arg7[%dma_wait3A_63] : memref<4x!tpu.dma_semaphore, #tpu.memory_space<semaphore_mem>> -> memref<1x!tpu.dma_semaphore, #tpu.memory_space<semaphore_mem>>
    %dma_wait3A_75 = tpu.memref_squeeze %dma_wait3A_74 : memref<1x!tpu.dma_semaphore, #tpu.memory_space<semaphore_mem>> -> memref<!tpu.dma_semaphore, #tpu.memory_space<semaphore_mem>>
    tpu.wait_indirect_dma semaphore(%dma_wait3A_75 : memref<!tpu.dma_semaphore, #tpu.memory_space<semaphore_mem>>) src(%dma_wait3A_73 : memref<1000000x64xf32, #tpu.memory_space<hbm>>) dst(%dma_wait3A_67 : memref<104x64xf32, #tpu.memory_space<vmem>>)
    %dma_wait3A_76 = arith.constant 0 : i32
    %dma_wait3A_77 = arith.constant 0 : i32
    %dma_wait3A_78 = arith.constant 0 : i32
    %dma_wait3A_79 = arith.constant 104 : i32
    %dma_wait3A_80 = arith.constant 0 : i32
    %dma_wait3A_81 = tpu.memref_slice %arg6[%dma_wait3A_77, %dma_wait3A_79, %dma_wait3A_80] : memref<4x200x64xf32, #tpu.memory_space<vmem>> -> memref<1x96x64xf32, #tpu.memory_space<vmem>>
    %dma_wait3A_82 = tpu.memref_squeeze %dma_wait3A_81 : memref<1x96x64xf32, #tpu.memory_space<vmem>> -> memref<96x64xf32, #tpu.memory_space<vmem>>
    %dma_wait3A_83 = arith.constant 104 : i32
    %dma_wait3A_84 = tpu.memref_slice %arg5[%dma_wait3A_76, %dma_wait3A_83] : memref<128x256xi32, #tpu.memory_space<vmem>> -> memref<1x96xi32, #tpu.memory_space<vmem>>
    %dma_wait3A_85 = tpu.memref_squeeze %dma_wait3A_84 : memref<1x96xi32, #tpu.memory_space<vmem>> -> memref<96xi32, #tpu.memory_space<vmem>>
    %dma_wait3A_86 = arith.constant 0 : i32
    %dma_wait3A_87 = arith.constant 0 : i32
    %dma_wait3A_88 = tpu.memref_slice %arg3[%dma_wait3A_86, %dma_wait3A_87] : memref<1000000x64xf32, #tpu.memory_space<hbm>> -> memref<1000000x64xf32, #tpu.memory_space<hbm>>
    %dma_wait3A_89 = tpu.memref_slice %arg7[%dma_wait3A_78] : memref<4x!tpu.dma_semaphore, #tpu.memory_space<semaphore_mem>> -> memref<1x!tpu.dma_semaphore, #tpu.memory_space<semaphore_mem>>
    %dma_wait3A_90 = tpu.memref_squeeze %dma_wait3A_89 : memref<1x!tpu.dma_semaphore, #tpu.memory_space<semaphore_mem>> -> memref<!tpu.dma_semaphore, #tpu.memory_space<semaphore_mem>>
    tpu.wait_indirect_dma semaphore(%dma_wait3A_90 : memref<!tpu.dma_semaphore, #tpu.memory_space<semaphore_mem>>) src(%dma_wait3A_88 : memref<1000000x64xf32, #tpu.memory_space<hbm>>) dst(%dma_wait3A_82 : memref<96x64xf32, #tpu.memory_space<vmem>>)
    %add3A_91 = arith.constant 0 : i32
    %add3A_92 = arith.addi %mul3A_2, %add3A_91 : i32
    %dma_start3A_93 = arith.constant 0 : i32
    %dma_start3A_94 = arith.constant 0 : i32
    %dma_start3A_95 = arith.constant 0 : i32
    %dma_start3A_96 = arith.constant 0 : i32
    %dma_start3A_97 = tpu.memref_slice %arg6[%dma_start3A_93, %dma_start3A_95, %dma_start3A_96] : memref<4x200x64xf32, #tpu.memory_space<vmem>> -> memref<1x200x64xf32, #tpu.memory_space<vmem>>
    %dma_start3A_98 = tpu.memref_squeeze %dma_start3A_97 : memref<1x200x64xf32, #tpu.memory_space<vmem>> -> memref<200x64xf32, #tpu.memory_space<vmem>>
    %dma_start3A_99 = arith.constant 0 : i32
    %dma_start3A_100 = arith.constant 0 : i32
    %dma_start3A_101 = tpu.memref_slice %arg4[%add3A_92, %dma_start3A_99, %dma_start3A_100] : memref<4096x200x64xf32, #tpu.memory_space<hbm>> -> memref<1x200x64xf32, #tpu.memory_space<hbm>>
    %dma_start3A_102 = tpu.memref_squeeze %dma_start3A_101 : memref<1x200x64xf32, #tpu.memory_space<hbm>> -> memref<200x64xf32, #tpu.memory_space<hbm>>
    %dma_start3A_103 = tpu.memref_slice %arg8[%dma_start3A_94] : memref<4x!tpu.dma_semaphore, #tpu.memory_space<semaphore_mem>> -> memref<1x!tpu.dma_semaphore, #tpu.memory_space<semaphore_mem>>
    %dma_start3A_104 = tpu.memref_squeeze %dma_start3A_103 : memref<1x!tpu.dma_semaphore, #tpu.memory_space<semaphore_mem>> -> memref<!tpu.dma_semaphore, #tpu.memory_space<semaphore_mem>>
    %dma_start3A_105 = arith.constant 0 : i32
    %dma_start3A_106 = arith.constant 0 : i32
    %dma_start3A_107 = tpu.memref_slice %arg4[%add3A_92, %dma_start3A_105, %dma_start3A_106] : memref<4096x200x64xf32, #tpu.memory_space<hbm>> -> memref<1x200x64xf32, #tpu.memory_space<hbm>>
    %dma_start3A_108 = tpu.memref_squeeze %dma_start3A_107 : memref<1x200x64xf32, #tpu.memory_space<hbm>> -> memref<200x64xf32, #tpu.memory_space<hbm>>
    %dma_start3A_109 = arith.constant 0 : i32
    %dma_start3A_110 = arith.constant 0 : i32
    %dma_start3A_111 = tpu.memref_slice %arg6[%dma_start3A_93, %dma_start3A_109, %dma_start3A_110] : memref<4x200x64xf32, #tpu.memory_space<vmem>> -> memref<1x200x64xf32, #tpu.memory_space<vmem>>
    %dma_start3A_112 = tpu.memref_squeeze %dma_start3A_111 : memref<1x200x64xf32, #tpu.memory_space<vmem>> -> memref<200x64xf32, #tpu.memory_space<vmem>>
    tpu.enqueue_dma source(%dma_start3A_112 : memref<200x64xf32, #tpu.memory_space<vmem>>) target(%dma_start3A_108 : memref<200x64xf32, #tpu.memory_space<hbm>>) target_semaphore(%dma_start3A_104 : memref<!tpu.dma_semaphore, #tpu.memory_space<semaphore_mem>>)
    %dma_start3A_113 = arith.constant 2 : i32
    %dma_start3A_114 = arith.constant 2 : i32
    %dma_start3A_115 = arith.constant 2 : i32
    %dma_start3A_116 = arith.constant 0 : i32
    %dma_start3A_117 = arith.constant 0 : i32
    %dma_start3A_118 = tpu.memref_slice %arg6[%dma_start3A_114, %dma_start3A_116, %dma_start3A_117] : memref<4x200x64xf32, #tpu.memory_space<vmem>> -> memref<1x104x64xf32, #tpu.memory_space<vmem>>
    %dma_start3A_119 = tpu.memref_squeeze %dma_start3A_118 : memref<1x104x64xf32, #tpu.memory_space<vmem>> -> memref<104x64xf32, #tpu.memory_space<vmem>>
    %dma_start3A_120 = arith.constant 0 : i32
    %dma_start3A_121 = tpu.memref_slice %arg5[%dma_start3A_113, %dma_start3A_120] : memref<128x256xi32, #tpu.memory_space<vmem>> -> memref<1x104xi32, #tpu.memory_space<vmem>>
    %dma_start3A_122 = tpu.memref_squeeze %dma_start3A_121 : memref<1x104xi32, #tpu.memory_space<vmem>> -> memref<104xi32, #tpu.memory_space<vmem>>
    %dma_start3A_123 = arith.constant 0 : i32
    %dma_start3A_124 = arith.constant 0 : i32
    %dma_start3A_125 = tpu.memref_slice %arg3[%dma_start3A_123, %dma_start3A_124] : memref<1000000x64xf32, #tpu.memory_space<hbm>> -> memref<1000000x64xf32, #tpu.memory_space<hbm>>
    %dma_start3A_126 = tpu.memref_slice %arg7[%dma_start3A_115] : memref<4x!tpu.dma_semaphore, #tpu.memory_space<semaphore_mem>> -> memref<1x!tpu.dma_semaphore, #tpu.memory_space<semaphore_mem>>
    %dma_start3A_127 = tpu.memref_squeeze %dma_start3A_126 : memref<1x!tpu.dma_semaphore, #tpu.memory_space<semaphore_mem>> -> memref<!tpu.dma_semaphore, #tpu.memory_space<semaphore_mem>>
    tpu.enqueue_indirect_dma source(%dma_start3A_125 : memref<1000000x64xf32, #tpu.memory_space<hbm>>) target(%dma_start3A_119 : memref<104x64xf32, #tpu.memory_space<vmem>>) offsets(%dma_start3A_122 : memref<104xi32, #tpu.memory_space<vmem>>) semaphore(%dma_start3A_127 : memref<!tpu.dma_semaphore, #tpu.memory_space<semaphore_mem>>)
    %dma_start3A_128 = arith.constant 2 : i32
    %dma_start3A_129 = arith.constant 2 : i32
    %dma_start3A_130 = arith.constant 2 : i32
    %dma_start3A_131 = arith.constant 104 : i32
    %dma_start3A_132 = arith.constant 0 : i32
    %dma_start3A_133 = tpu.memref_slice %arg6[%dma_start3A_129, %dma_start3A_131, %dma_start3A_132] : memref<4x200x64xf32, #tpu.memory_space<vmem>> -> memref<1x96x64xf32, #tpu.memory_space<vmem>>
    %dma_start3A_134 = tpu.memref_squeeze %dma_start3A_133 : memref<1x96x64xf32, #tpu.memory_space<vmem>> -> memref<96x64xf32, #tpu.memory_space<vmem>>
    %dma_start3A_135 = arith.constant 104 : i32
    %dma_start3A_136 = tpu.memref_slice %arg5[%dma_start3A_128, %dma_start3A_135] : memref<128x256xi32, #tpu.memory_space<vmem>> -> memref<1x96xi32, #tpu.memory_space<vmem>>
    %dma_start3A_137 = tpu.memref_squeeze %dma_start3A_136 : memref<1x96xi32, #tpu.memory_space<vmem>> -> memref<96xi32, #tpu.memory_space<vmem>>
    %dma_start3A_138 = arith.constant 0 : i32
    %dma_start3A_139 = arith.constant 0 : i32
    %dma_start3A_140 = tpu.memref_slice %arg3[%dma_start3A_138, %dma_start3A_139] : memref<1000000x64xf32, #tpu.memory_space<hbm>> -> memref<1000000x64xf32, #tpu.memory_space<hbm>>
    %dma_start3A_141 = tpu.memref_slice %arg7[%dma_start3A_130] : memref<4x!tpu.dma_semaphore, #tpu.memory_space<semaphore_mem>> -> memref<1x!tpu.dma_semaphore, #tpu.memory_space<semaphore_mem>>
    %dma_start3A_142 = tpu.memref_squeeze %dma_start3A_141 : memref<1x!tpu.dma_semaphore, #tpu.memory_space<semaphore_mem>> -> memref<!tpu.dma_semaphore, #tpu.memory_space<semaphore_mem>>
    tpu.enqueue_indirect_dma source(%dma_start3A_140 : memref<1000000x64xf32, #tpu.memory_space<hbm>>) target(%dma_start3A_134 : memref<96x64xf32, #tpu.memory_space<vmem>>) offsets(%dma_start3A_137 : memref<96xi32, #tpu.memory_space<vmem>>) semaphore(%dma_start3A_142 : memref<!tpu.dma_semaphore, #tpu.memory_space<semaphore_mem>>)
    %dma_wait3A_143 = arith.constant 1 : i32
    %dma_wait3A_144 = arith.constant 1 : i32
    %dma_wait3A_145 = arith.constant 1 : i32
    %dma_wait3A_146 = arith.constant 0 : i32
    %dma_wait3A_147 = arith.constant 0 : i32
    %dma_wait3A_148 = tpu.memref_slice %arg6[%dma_wait3A_144, %dma_wait3A_146, %dma_wait3A_147] : memref<4x200x64xf32, #tpu.memory_space<vmem>> -> memref<1x104x64xf32, #tpu.memory_space<vmem>>
    %dma_wait3A_149 = tpu.memref_squeeze %dma_wait3A_148 : memref<1x104x64xf32, #tpu.memory_space<vmem>> -> memref<104x64xf32, #tpu.memory_space<vmem>>
    %dma_wait3A_150 = arith.constant 0 : i32
    %dma_wait3A_151 = tpu.memref_slice %arg5[%dma_wait3A_143, %dma_wait3A_150] : memref<128x256xi32, #tpu.memory_space<vmem>> -> memref<1x104xi32, #tpu.memory_space<vmem>>
    %dma_wait3A_152 = tpu.memref_squeeze %dma_wait3A_151 : memref<1x104xi32, #tpu.memory_space<vmem>> -> memref<104xi32, #tpu.memory_space<vmem>>
    %dma_wait3A_153 = arith.constant 0 : i32
    %dma_wait3A_154 = arith.constant 0 : i32
    %dma_wait3A_155 = tpu.memref_slice %arg3[%dma_wait3A_153, %dma_wait3A_154] : memref<1000000x64xf32, #tpu.memory_space<hbm>> -> memref<1000000x64xf32, #tpu.memory_space<hbm>>
    %dma_wait3A_156 = tpu.memref_slice %arg7[%dma_wait3A_145] : memref<4x!tpu.dma_semaphore, #tpu.memory_space<semaphore_mem>> -> memref<1x!tpu.dma_semaphore, #tpu.memory_space<semaphore_mem>>
    %dma_wait3A_157 = tpu.memref_squeeze %dma_wait3A_156 : memref<1x!tpu.dma_semaphore, #tpu.memory_space<semaphore_mem>> -> memref<!tpu.dma_semaphore, #tpu.memory_space<semaphore_mem>>
    tpu.wait_indirect_dma semaphore(%dma_wait3A_157 : memref<!tpu.dma_semaphore, #tpu.memory_space<semaphore_mem>>) src(%dma_wait3A_155 : memref<1000000x64xf32, #tpu.memory_space<hbm>>) dst(%dma_wait3A_149 : memref<104x64xf32, #tpu.memory_space<vmem>>)
    %dma_wait3A_158 = arith.constant 1 : i32
    %dma_wait3A_159 = arith.constant 1 : i32
    %dma_wait3A_160 = arith.constant 1 : i32
    %dma_wait3A_161 = arith.constant 104 : i32
    %dma_wait3A_162 = arith.constant 0 : i32
    %dma_wait3A_163 = tpu.memref_slice %arg6[%dma_wait3A_159, %dma_wait3A_161, %dma_wait3A_162] : memref<4x200x64xf32, #tpu.memory_space<vmem>> -> memref<1x96x64xf32, #tpu.memory_space<vmem>>
    %dma_wait3A_164 = tpu.memref_squeeze %dma_wait3A_163 : memref<1x96x64xf32, #tpu.memory_space<vmem>> -> memref<96x64xf32, #tpu.memory_space<vmem>>
    %dma_wait3A_165 = arith.constant 104 : i32
    %dma_wait3A_166 = tpu.memref_slice %arg5[%dma_wait3A_158, %dma_wait3A_165] : memref<128x256xi32, #tpu.memory_space<vmem>> -> memref<1x96xi32, #tpu.memory_space<vmem>>
    %dma_wait3A_167 = tpu.memref_squeeze %dma_wait3A_166 : memref<1x96xi32, #tpu.memory_space<vmem>> -> memref<96xi32, #tpu.memory_space<vmem>>
    %dma_wait3A_168 = arith.constant 0 : i32
    %dma_wait3A_169 = arith.constant 0 : i32
    %dma_wait3A_170 = tpu.memref_slice %arg3[%dma_wait3A_168, %dma_wait3A_169] : memref<1000000x64xf32, #tpu.memory_space<hbm>> -> memref<1000000x64xf32, #tpu.memory_space<hbm>>
    %dma_wait3A_171 = tpu.memref_slice %arg7[%dma_wait3A_160] : memref<4x!tpu.dma_semaphore, #tpu.memory_space<semaphore_mem>> -> memref<1x!tpu.dma_semaphore, #tpu.memory_space<semaphore_mem>>
    %dma_wait3A_172 = tpu.memref_squeeze %dma_wait3A_171 : memref<1x!tpu.dma_semaphore, #tpu.memory_space<semaphore_mem>> -> memref<!tpu.dma_semaphore, #tpu.memory_space<semaphore_mem>>
    tpu.wait_indirect_dma semaphore(%dma_wait3A_172 : memref<!tpu.dma_semaphore, #tpu.memory_space<semaphore_mem>>) src(%dma_wait3A_170 : memref<1000000x64xf32, #tpu.memory_space<hbm>>) dst(%dma_wait3A_164 : memref<96x64xf32, #tpu.memory_space<vmem>>)
    %add3A_173 = arith.constant 1 : i32
    %add3A_174 = arith.addi %mul3A_2, %add3A_173 : i32
    %dma_start3A_175 = arith.constant 1 : i32
    %dma_start3A_176 = arith.constant 1 : i32
    %dma_start3A_177 = arith.constant 0 : i32
    %dma_start3A_178 = arith.constant 0 : i32
    %dma_start3A_179 = tpu.memref_slice %arg6[%dma_start3A_175, %dma_start3A_177, %dma_start3A_178] : memref<4x200x64xf32, #tpu.memory_space<vmem>> -> memref<1x200x64xf32, #tpu.memory_space<vmem>>
    %dma_start3A_180 = tpu.memref_squeeze %dma_start3A_179 : memref<1x200x64xf32, #tpu.memory_space<vmem>> -> memref<200x64xf32, #tpu.memory_space<vmem>>
    %dma_start3A_181 = arith.constant 0 : i32
    %dma_start3A_182 = arith.constant 0 : i32
    %dma_start3A_183 = tpu.memref_slice %arg4[%add3A_174, %dma_start3A_181, %dma_start3A_182] : memref<4096x200x64xf32, #tpu.memory_space<hbm>> -> memref<1x200x64xf32, #tpu.memory_space<hbm>>
    %dma_start3A_184 = tpu.memref_squeeze %dma_start3A_183 : memref<1x200x64xf32, #tpu.memory_space<hbm>> -> memref<200x64xf32, #tpu.memory_space<hbm>>
    %dma_start3A_185 = tpu.memref_slice %arg8[%dma_start3A_176] : memref<4x!tpu.dma_semaphore, #tpu.memory_space<semaphore_mem>> -> memref<1x!tpu.dma_semaphore, #tpu.memory_space<semaphore_mem>>
    %dma_start3A_186 = tpu.memref_squeeze %dma_start3A_185 : memref<1x!tpu.dma_semaphore, #tpu.memory_space<semaphore_mem>> -> memref<!tpu.dma_semaphore, #tpu.memory_space<semaphore_mem>>
    %dma_start3A_187 = arith.constant 0 : i32
    %dma_start3A_188 = arith.constant 0 : i32
    %dma_start3A_189 = tpu.memref_slice %arg4[%add3A_174, %dma_start3A_187, %dma_start3A_188] : memref<4096x200x64xf32, #tpu.memory_space<hbm>> -> memref<1x200x64xf32, #tpu.memory_space<hbm>>
    %dma_start3A_190 = tpu.memref_squeeze %dma_start3A_189 : memref<1x200x64xf32, #tpu.memory_space<hbm>> -> memref<200x64xf32, #tpu.memory_space<hbm>>
    %dma_start3A_191 = arith.constant 0 : i32
    %dma_start3A_192 = arith.constant 0 : i32
    %dma_start3A_193 = tpu.memref_slice %arg6[%dma_start3A_175, %dma_start3A_191, %dma_start3A_192] : memref<4x200x64xf32, #tpu.memory_space<vmem>> -> memref<1x200x64xf32, #tpu.memory_space<vmem>>
    %dma_start3A_194 = tpu.memref_squeeze %dma_start3A_193 : memref<1x200x64xf32, #tpu.memory_space<vmem>> -> memref<200x64xf32, #tpu.memory_space<vmem>>
    tpu.enqueue_dma source(%dma_start3A_194 : memref<200x64xf32, #tpu.memory_space<vmem>>) target(%dma_start3A_190 : memref<200x64xf32, #tpu.memory_space<hbm>>) target_semaphore(%dma_start3A_186 : memref<!tpu.dma_semaphore, #tpu.memory_space<semaphore_mem>>)
    %dma_start3A_195 = arith.constant 3 : i32
    %dma_start3A_196 = arith.constant 3 : i32
    %dma_start3A_197 = arith.constant 3 : i32
    %dma_start3A_198 = arith.constant 0 : i32
    %dma_start3A_199 = arith.constant 0 : i32
    %dma_start3A_200 = tpu.memref_slice %arg6[%dma_start3A_196, %dma_start3A_198, %dma_start3A_199] : memref<4x200x64xf32, #tpu.memory_space<vmem>> -> memref<1x104x64xf32, #tpu.memory_space<vmem>>
    %dma_start3A_201 = tpu.memref_squeeze %dma_start3A_200 : memref<1x104x64xf32, #tpu.memory_space<vmem>> -> memref<104x64xf32, #tpu.memory_space<vmem>>
    %dma_start3A_202 = arith.constant 0 : i32
    %dma_start3A_203 = tpu.memref_slice %arg5[%dma_start3A_195, %dma_start3A_202] : memref<128x256xi32, #tpu.memory_space<vmem>> -> memref<1x104xi32, #tpu.memory_space<vmem>>
    %dma_start3A_204 = tpu.memref_squeeze %dma_start3A_203 : memref<1x104xi32, #tpu.memory_space<vmem>> -> memref<104xi32, #tpu.memory_space<vmem>>
    %dma_start3A_205 = arith.constant 0 : i32
    %dma_start3A_206 = arith.constant 0 : i32
    %dma_start3A_207 = tpu.memref_slice %arg3[%dma_start3A_205, %dma_start3A_206] : memref<1000000x64xf32, #tpu.memory_space<hbm>> -> memref<1000000x64xf32, #tpu.memory_space<hbm>>
    %dma_start3A_208 = tpu.memref_slice %arg7[%dma_start3A_197] : memref<4x!tpu.dma_semaphore, #tpu.memory_space<semaphore_mem>> -> memref<1x!tpu.dma_semaphore, #tpu.memory_space<semaphore_mem>>
    %dma_start3A_209 = tpu.memref_squeeze %dma_start3A_208 : memref<1x!tpu.dma_semaphore, #tpu.memory_space<semaphore_mem>> -> memref<!tpu.dma_semaphore, #tpu.memory_space<semaphore_mem>>
    tpu.enqueue_indirect_dma source(%dma_start3A_207 : memref<1000000x64xf32, #tpu.memory_space<hbm>>) target(%dma_start3A_201 : memref<104x64xf32, #tpu.memory_space<vmem>>) offsets(%dma_start3A_204 : memref<104xi32, #tpu.memory_space<vmem>>) semaphore(%dma_start3A_209 : memref<!tpu.dma_semaphore, #tpu.memory_space<semaphore_mem>>)
    %dma_start3A_210 = arith.constant 3 : i32
    %dma_start3A_211 = arith.constant 3 : i32
    %dma_start3A_212 = arith.constant 3 : i32
    %dma_start3A_213 = arith.constant 104 : i32
    %dma_start3A_214 = arith.constant 0 : i32
    %dma_start3A_215 = tpu.memref_slice %arg6[%dma_start3A_211, %dma_start3A_213, %dma_start3A_214] : memref<4x200x64xf32, #tpu.memory_space<vmem>> -> memref<1x96x64xf32, #tpu.memory_space<vmem>>
    %dma_start3A_216 = tpu.memref_squeeze %dma_start3A_215 : memref<1x96x64xf32, #tpu.memory_space<vmem>> -> memref<96x64xf32, #tpu.memory_space<vmem>>
    %dma_start3A_217 = arith.constant 104 : i32
    %dma_start3A_218 = tpu.memref_slice %arg5[%dma_start3A_210, %dma_start3A_217] : memref<128x256xi32, #tpu.memory_space<vmem>> -> memref<1x96xi32, #tpu.memory_space<vmem>>
    %dma_start3A_219 = tpu.memref_squeeze %dma_start3A_218 : memref<1x96xi32, #tpu.memory_space<vmem>> -> memref<96xi32, #tpu.memory_space<vmem>>
    %dma_start3A_220 = arith.constant 0 : i32
    %dma_start3A_221 = arith.constant 0 : i32
    %dma_start3A_222 = tpu.memref_slice %arg3[%dma_start3A_220, %dma_start3A_221] : memref<1000000x64xf32, #tpu.memory_space<hbm>> -> memref<1000000x64xf32, #tpu.memory_space<hbm>>
    %dma_start3A_223 = tpu.memref_slice %arg7[%dma_start3A_212] : memref<4x!tpu.dma_semaphore, #tpu.memory_space<semaphore_mem>> -> memref<1x!tpu.dma_semaphore, #tpu.memory_space<semaphore_mem>>
    %dma_start3A_224 = tpu.memref_squeeze %dma_start3A_223 : memref<1x!tpu.dma_semaphore, #tpu.memory_space<semaphore_mem>> -> memref<!tpu.dma_semaphore, #tpu.memory_space<semaphore_mem>>
    tpu.enqueue_indirect_dma source(%dma_start3A_222 : memref<1000000x64xf32, #tpu.memory_space<hbm>>) target(%dma_start3A_216 : memref<96x64xf32, #tpu.memory_space<vmem>>) offsets(%dma_start3A_219 : memref<96xi32, #tpu.memory_space<vmem>>) semaphore(%dma_start3A_224 : memref<!tpu.dma_semaphore, #tpu.memory_space<semaphore_mem>>)
    %dma_wait3A_225 = arith.constant 2 : i32
    %dma_wait3A_226 = arith.constant 2 : i32
    %dma_wait3A_227 = arith.constant 2 : i32
    %dma_wait3A_228 = arith.constant 0 : i32
    %dma_wait3A_229 = arith.constant 0 : i32
    %dma_wait3A_230 = tpu.memref_slice %arg6[%dma_wait3A_226, %dma_wait3A_228, %dma_wait3A_229] : memref<4x200x64xf32, #tpu.memory_space<vmem>> -> memref<1x104x64xf32, #tpu.memory_space<vmem>>
    %dma_wait3A_231 = tpu.memref_squeeze %dma_wait3A_230 : memref<1x104x64xf32, #tpu.memory_space<vmem>> -> memref<104x64xf32, #tpu.memory_space<vmem>>
    %dma_wait3A_232 = arith.constant 0 : i32
    %dma_wait3A_233 = tpu.memref_slice %arg5[%dma_wait3A_225, %dma_wait3A_232] : memref<128x256xi32, #tpu.memory_space<vmem>> -> memref<1x104xi32, #tpu.memory_space<vmem>>
    %dma_wait3A_234 = tpu.memref_squeeze %dma_wait3A_233 : memref<1x104xi32, #tpu.memory_space<vmem>> -> memref<104xi32, #tpu.memory_space<vmem>>
    %dma_wait3A_235 = arith.constant 0 : i32
    %dma_wait3A_236 = arith.constant 0 : i32
    %dma_wait3A_237 = tpu.memref_slice %arg3[%dma_wait3A_235, %dma_wait3A_236] : memref<1000000x64xf32, #tpu.memory_space<hbm>> -> memref<1000000x64xf32, #tpu.memory_space<hbm>>
    %dma_wait3A_238 = tpu.memref_slice %arg7[%dma_wait3A_227] : memref<4x!tpu.dma_semaphore, #tpu.memory_space<semaphore_mem>> -> memref<1x!tpu.dma_semaphore, #tpu.memory_space<semaphore_mem>>
    %dma_wait3A_239 = tpu.memref_squeeze %dma_wait3A_238 : memref<1x!tpu.dma_semaphore, #tpu.memory_space<semaphore_mem>> -> memref<!tpu.dma_semaphore, #tpu.memory_space<semaphore_mem>>
    tpu.wait_indirect_dma semaphore(%dma_wait3A_239 : memref<!tpu.dma_semaphore, #tpu.memory_space<semaphore_mem>>) src(%dma_wait3A_237 : memref<1000000x64xf32, #tpu.memory_space<hbm>>) dst(%dma_wait3A_231 : memref<104x64xf32, #tpu.memory_space<vmem>>)
    %dma_wait3A_240 = arith.constant 2 : i32
    %dma_wait3A_241 = arith.constant 2 : i32
    %dma_wait3A_242 = arith.constant 2 : i32
    %dma_wait3A_243 = arith.constant 104 : i32
    %dma_wait3A_244 = arith.constant 0 : i32
    %dma_wait3A_245 = tpu.memref_slice %arg6[%dma_wait3A_241, %dma_wait3A_243, %dma_wait3A_244] : memref<4x200x64xf32, #tpu.memory_space<vmem>> -> memref<1x96x64xf32, #tpu.memory_space<vmem>>
    %dma_wait3A_246 = tpu.memref_squeeze %dma_wait3A_245 : memref<1x96x64xf32, #tpu.memory_space<vmem>> -> memref<96x64xf32, #tpu.memory_space<vmem>>
    %dma_wait3A_247 = arith.constant 104 : i32
    %dma_wait3A_248 = tpu.memref_slice %arg5[%dma_wait3A_240, %dma_wait3A_247] : memref<128x256xi32, #tpu.memory_space<vmem>> -> memref<1x96xi32, #tpu.memory_space<vmem>>
    %dma_wait3A_249 = tpu.memref_squeeze %dma_wait3A_248 : memref<1x96xi32, #tpu.memory_space<vmem>> -> memref<96xi32, #tpu.memory_space<vmem>>
    %dma_wait3A_250 = arith.constant 0 : i32
    %dma_wait3A_251 = arith.constant 0 : i32
    %dma_wait3A_252 = tpu.memref_slice %arg3[%dma_wait3A_250, %dma_wait3A_251] : memref<1000000x64xf32, #tpu.memory_space<hbm>> -> memref<1000000x64xf32, #tpu.memory_space<hbm>>
    %dma_wait3A_253 = tpu.memref_slice %arg7[%dma_wait3A_242] : memref<4x!tpu.dma_semaphore, #tpu.memory_space<semaphore_mem>> -> memref<1x!tpu.dma_semaphore, #tpu.memory_space<semaphore_mem>>
    %dma_wait3A_254 = tpu.memref_squeeze %dma_wait3A_253 : memref<1x!tpu.dma_semaphore, #tpu.memory_space<semaphore_mem>> -> memref<!tpu.dma_semaphore, #tpu.memory_space<semaphore_mem>>
    tpu.wait_indirect_dma semaphore(%dma_wait3A_254 : memref<!tpu.dma_semaphore, #tpu.memory_space<semaphore_mem>>) src(%dma_wait3A_252 : memref<1000000x64xf32, #tpu.memory_space<hbm>>) dst(%dma_wait3A_246 : memref<96x64xf32, #tpu.memory_space<vmem>>)
    %add3A_255 = arith.constant 2 : i32
    %add3A_256 = arith.addi %mul3A_2, %add3A_255 : i32
    %dma_start3A_257 = arith.constant 2 : i32
    %dma_start3A_258 = arith.constant 2 : i32
    %dma_start3A_259 = arith.constant 0 : i32
    %dma_start3A_260 = arith.constant 0 : i32
    %dma_start3A_261 = tpu.memref_slice %arg6[%dma_start3A_257, %dma_start3A_259, %dma_start3A_260] : memref<4x200x64xf32, #tpu.memory_space<vmem>> -> memref<1x200x64xf32, #tpu.memory_space<vmem>>
    %dma_start3A_262 = tpu.memref_squeeze %dma_start3A_261 : memref<1x200x64xf32, #tpu.memory_space<vmem>> -> memref<200x64xf32, #tpu.memory_space<vmem>>
    %dma_start3A_263 = arith.constant 0 : i32
    %dma_start3A_264 = arith.constant 0 : i32
    %dma_start3A_265 = tpu.memref_slice %arg4[%add3A_256, %dma_start3A_263, %dma_start3A_264] : memref<4096x200x64xf32, #tpu.memory_space<hbm>> -> memref<1x200x64xf32, #tpu.memory_space<hbm>>
    %dma_start3A_266 = tpu.memref_squeeze %dma_start3A_265 : memref<1x200x64xf32, #tpu.memory_space<hbm>> -> memref<200x64xf32, #tpu.memory_space<hbm>>
    %dma_start3A_267 = tpu.memref_slice %arg8[%dma_start3A_258] : memref<4x!tpu.dma_semaphore, #tpu.memory_space<semaphore_mem>> -> memref<1x!tpu.dma_semaphore, #tpu.memory_space<semaphore_mem>>
    %dma_start3A_268 = tpu.memref_squeeze %dma_start3A_267 : memref<1x!tpu.dma_semaphore, #tpu.memory_space<semaphore_mem>> -> memref<!tpu.dma_semaphore, #tpu.memory_space<semaphore_mem>>
    %dma_start3A_269 = arith.constant 0 : i32
    %dma_start3A_270 = arith.constant 0 : i32
    %dma_start3A_271 = tpu.memref_slice %arg4[%add3A_256, %dma_start3A_269, %dma_start3A_270] : memref<4096x200x64xf32, #tpu.memory_space<hbm>> -> memref<1x200x64xf32, #tpu.memory_space<hbm>>
    %dma_start3A_272 = tpu.memref_squeeze %dma_start3A_271 : memref<1x200x64xf32, #tpu.memory_space<hbm>> -> memref<200x64xf32, #tpu.memory_space<hbm>>
    %dma_start3A_273 = arith.constant 0 : i32
    %dma_start3A_274 = arith.constant 0 : i32
    %dma_start3A_275 = tpu.memref_slice %arg6[%dma_start3A_257, %dma_start3A_273, %dma_start3A_274] : memref<4x200x64xf32, #tpu.memory_space<vmem>> -> memref<1x200x64xf32, #tpu.memory_space<vmem>>
    %dma_start3A_276 = tpu.memref_squeeze %dma_start3A_275 : memref<1x200x64xf32, #tpu.memory_space<vmem>> -> memref<200x64xf32, #tpu.memory_space<vmem>>
    tpu.enqueue_dma source(%dma_start3A_276 : memref<200x64xf32, #tpu.memory_space<vmem>>) target(%dma_start3A_272 : memref<200x64xf32, #tpu.memory_space<hbm>>) target_semaphore(%dma_start3A_268 : memref<!tpu.dma_semaphore, #tpu.memory_space<semaphore_mem>>)
    %add3A_277 = arith.constant 0 : i32
    %add3A_278 = arith.addi %mul3A_2, %add3A_277 : i32
    %dma_wait3A_279 = arith.constant 0 : i32
    %dma_wait3A_280 = arith.constant 0 : i32
    %dma_wait3A_281 = arith.constant 0 : i32
    %dma_wait3A_282 = arith.constant 0 : i32
    %dma_wait3A_283 = tpu.memref_slice %arg6[%dma_wait3A_279, %dma_wait3A_281, %dma_wait3A_282] : memref<4x200x64xf32, #tpu.memory_space<vmem>> -> memref<1x200x64xf32, #tpu.memory_space<vmem>>
    %dma_wait3A_284 = tpu.memref_squeeze %dma_wait3A_283 : memref<1x200x64xf32, #tpu.memory_space<vmem>> -> memref<200x64xf32, #tpu.memory_space<vmem>>
    %dma_wait3A_285 = arith.constant 0 : i32
    %dma_wait3A_286 = arith.constant 0 : i32
    %dma_wait3A_287 = tpu.memref_slice %arg4[%add3A_278, %dma_wait3A_285, %dma_wait3A_286] : memref<4096x200x64xf32, #tpu.memory_space<hbm>> -> memref<1x200x64xf32, #tpu.memory_space<hbm>>
    %dma_wait3A_288 = tpu.memref_squeeze %dma_wait3A_287 : memref<1x200x64xf32, #tpu.memory_space<hbm>> -> memref<200x64xf32, #tpu.memory_space<hbm>>
    %dma_wait3A_289 = tpu.memref_slice %arg8[%dma_wait3A_280] : memref<4x!tpu.dma_semaphore, #tpu.memory_space<semaphore_mem>> -> memref<1x!tpu.dma_semaphore, #tpu.memory_space<semaphore_mem>>
    %dma_wait3A_290 = tpu.memref_squeeze %dma_wait3A_289 : memref<1x!tpu.dma_semaphore, #tpu.memory_space<semaphore_mem>> -> memref<!tpu.dma_semaphore, #tpu.memory_space<semaphore_mem>>
    %dma_wait3A_291 = arith.constant 0 : i32
    %dma_wait3A_292 = arith.constant 0 : i32
    %dma_wait3A_293 = tpu.memref_slice %arg4[%add3A_278, %dma_wait3A_291, %dma_wait3A_292] : memref<4096x200x64xf32, #tpu.memory_space<hbm>> -> memref<1x200x64xf32, #tpu.memory_space<hbm>>
    %dma_wait3A_294 = tpu.memref_squeeze %dma_wait3A_293 : memref<1x200x64xf32, #tpu.memory_space<hbm>> -> memref<200x64xf32, #tpu.memory_space<hbm>>
    %dma_wait3A_295 = arith.constant 0 : i32
    %dma_wait3A_296 = arith.constant 0 : i32
    %dma_wait3A_297 = tpu.memref_slice %arg6[%dma_wait3A_279, %dma_wait3A_295, %dma_wait3A_296] : memref<4x200x64xf32, #tpu.memory_space<vmem>> -> memref<1x200x64xf32, #tpu.memory_space<vmem>>
    %dma_wait3A_298 = tpu.memref_squeeze %dma_wait3A_297 : memref<1x200x64xf32, #tpu.memory_space<vmem>> -> memref<200x64xf32, #tpu.memory_space<vmem>>
    tpu.wait_dma2 semaphore(%dma_wait3A_290 : memref<!tpu.dma_semaphore, #tpu.memory_space<semaphore_mem>>) src(%dma_wait3A_298 : memref<200x64xf32, #tpu.memory_space<vmem>>) dst(%dma_wait3A_294 : memref<200x64xf32, #tpu.memory_space<hbm>>)
    %dma_start3A_299 = arith.constant 4 : i32
    %dma_start3A_300 = arith.constant 0 : i32
    %dma_start3A_301 = arith.constant 0 : i32
    %dma_start3A_302 = arith.constant 0 : i32
    %dma_start3A_303 = arith.constant 0 : i32
    %dma_start3A_304 = tpu.memref_slice %arg6[%dma_start3A_300, %dma_start3A_302, %dma_start3A_303] : memref<4x200x64xf32, #tpu.memory_space<vmem>> -> memref<1x104x64xf32, #tpu.memory_space<vmem>>
    %dma_start3A_305 = tpu.memref_squeeze %dma_start3A_304 : memref<1x104x64xf32, #tpu.memory_space<vmem>> -> memref<104x64xf32, #tpu.memory_space<vmem>>
    %dma_start3A_306 = arith.constant 0 : i32
    %dma_start3A_307 = tpu.memref_slice %arg5[%dma_start3A_299, %dma_start3A_306] : memref<128x256xi32, #tpu.memory_space<vmem>> -> memref<1x104xi32, #tpu.memory_space<vmem>>
    %dma_start3A_308 = tpu.memref_squeeze %dma_start3A_307 : memref<1x104xi32, #tpu.memory_space<vmem>> -> memref<104xi32, #tpu.memory_space<vmem>>
    %dma_start3A_309 = arith.constant 0 : i32
    %dma_start3A_310 = arith.constant 0 : i32
    %dma_start3A_311 = tpu.memref_slice %arg3[%dma_start3A_309, %dma_start3A_310] : memref<1000000x64xf32, #tpu.memory_space<hbm>> -> memref<1000000x64xf32, #tpu.memory_space<hbm>>
    %dma_start3A_312 = tpu.memref_slice %arg7[%dma_start3A_301] : memref<4x!tpu.dma_semaphore, #tpu.memory_space<semaphore_mem>> -> memref<1x!tpu.dma_semaphore, #tpu.memory_space<semaphore_mem>>
    %dma_start3A_313 = tpu.memref_squeeze %dma_start3A_312 : memref<1x!tpu.dma_semaphore, #tpu.memory_space<semaphore_mem>> -> memref<!tpu.dma_semaphore, #tpu.memory_space<semaphore_mem>>
    tpu.enqueue_indirect_dma source(%dma_start3A_311 : memref<1000000x64xf32, #tpu.memory_space<hbm>>) target(%dma_start3A_305 : memref<104x64xf32, #tpu.memory_space<vmem>>) offsets(%dma_start3A_308 : memref<104xi32, #tpu.memory_space<vmem>>) semaphore(%dma_start3A_313 : memref<!tpu.dma_semaphore, #tpu.memory_space<semaphore_mem>>)
    %dma_start3A_314 = arith.constant 4 : i32
    %dma_start3A_315 = arith.constant 0 : i32
    %dma_start3A_316 = arith.constant 0 : i32
    %dma_start3A_317 = arith.constant 104 : i32
    %dma_start3A_318 = arith.constant 0 : i32
    %dma_start3A_319 = tpu.memref_slice %arg6[%dma_start3A_315, %dma_start3A_317, %dma_start3A_318] : memref<4x200x64xf32, #tpu.memory_space<vmem>> -> memref<1x96x64xf32, #tpu.memory_space<vmem>>
    %dma_start3A_320 = tpu.memref_squeeze %dma_start3A_319 : memref<1x96x64xf32, #tpu.memory_space<vmem>> -> memref<96x64xf32, #tpu.memory_space<vmem>>
    %dma_start3A_321 = arith.constant 104 : i32
    %dma_start3A_322 = tpu.memref_slice %arg5[%dma_start3A_314, %dma_start3A_321] : memref<128x256xi32, #tpu.memory_space<vmem>> -> memref<1x96xi32, #tpu.memory_space<vmem>>
    %dma_start3A_323 = tpu.memref_squeeze %dma_start3A_322 : memref<1x96xi32, #tpu.memory_space<vmem>> -> memref<96xi32, #tpu.memory_space<vmem>>
    %dma_start3A_324 = arith.constant 0 : i32
    %dma_start3A_325 = arith.constant 0 : i32
    %dma_start3A_326 = tpu.memref_slice %arg3[%dma_start3A_324, %dma_start3A_325] : memref<1000000x64xf32, #tpu.memory_space<hbm>> -> memref<1000000x64xf32, #tpu.memory_space<hbm>>
    %dma_start3A_327 = tpu.memref_slice %arg7[%dma_start3A_316] : memref<4x!tpu.dma_semaphore, #tpu.memory_space<semaphore_mem>> -> memref<1x!tpu.dma_semaphore, #tpu.memory_space<semaphore_mem>>
    %dma_start3A_328 = tpu.memref_squeeze %dma_start3A_327 : memref<1x!tpu.dma_semaphore, #tpu.memory_space<semaphore_mem>> -> memref<!tpu.dma_semaphore, #tpu.memory_space<semaphore_mem>>
    tpu.enqueue_indirect_dma source(%dma_start3A_326 : memref<1000000x64xf32, #tpu.memory_space<hbm>>) target(%dma_start3A_320 : memref<96x64xf32, #tpu.memory_space<vmem>>) offsets(%dma_start3A_323 : memref<96xi32, #tpu.memory_space<vmem>>) semaphore(%dma_start3A_328 : memref<!tpu.dma_semaphore, #tpu.memory_space<semaphore_mem>>)
    %dma_wait3A_329 = arith.constant 3 : i32
    %dma_wait3A_330 = arith.constant 3 : i32
    %dma_wait3A_331 = arith.constant 3 : i32
    %dma_wait3A_332 = arith.constant 0 : i32
    %dma_wait3A_333 = arith.constant 0 : i32
    %dma_wait3A_334 = tpu.memref_slice %arg6[%dma_wait3A_330, %dma_wait3A_332, %dma_wait3A_333] : memref<4x200x64xf32, #tpu.memory_space<vmem>> -> memref<1x104x64xf32, #tpu.memory_space<vmem>>
    %dma_wait3A_335 = tpu.memref_squeeze %dma_wait3A_334 : memref<1x104x64xf32, #tpu.memory_space<vmem>> -> memref<104x64xf32, #tpu.memory_space<vmem>>
    %dma_wait3A_336 = arith.constant 0 : i32
    %dma_wait3A_337 = tpu.memref_slice %arg5[%dma_wait3A_329, %dma_wait3A_336] : memref<128x256xi32, #tpu.memory_space<vmem>> -> memref<1x104xi32, #tpu.memory_space<vmem>>
    %dma_wait3A_338 = tpu.memref_squeeze %dma_wait3A_337 : memref<1x104xi32, #tpu.memory_space<vmem>> -> memref<104xi32, #tpu.memory_space<vmem>>
    %dma_wait3A_339 = arith.constant 0 : i32
    %dma_wait3A_340 = arith.constant 0 : i32
    %dma_wait3A_341 = tpu.memref_slice %arg3[%dma_wait3A_339, %dma_wait3A_340] : memref<1000000x64xf32, #tpu.memory_space<hbm>> -> memref<1000000x64xf32, #tpu.memory_space<hbm>>
    %dma_wait3A_342 = tpu.memref_slice %arg7[%dma_wait3A_331] : memref<4x!tpu.dma_semaphore, #tpu.memory_space<semaphore_mem>> -> memref<1x!tpu.dma_semaphore, #tpu.memory_space<semaphore_mem>>
    %dma_wait3A_343 = tpu.memref_squeeze %dma_wait3A_342 : memref<1x!tpu.dma_semaphore, #tpu.memory_space<semaphore_mem>> -> memref<!tpu.dma_semaphore, #tpu.memory_space<semaphore_mem>>
    tpu.wait_indirect_dma semaphore(%dma_wait3A_343 : memref<!tpu.dma_semaphore, #tpu.memory_space<semaphore_mem>>) src(%dma_wait3A_341 : memref<1000000x64xf32, #tpu.memory_space<hbm>>) dst(%dma_wait3A_335 : memref<104x64xf32, #tpu.memory_space<vmem>>)
    %dma_wait3A_344 = arith.constant 3 : i32
    %dma_wait3A_345 = arith.constant 3 : i32
    %dma_wait3A_346 = arith.constant 3 : i32
    %dma_wait3A_347 = arith.constant 104 : i32
    %dma_wait3A_348 = arith.constant 0 : i32
    %dma_wait3A_349 = tpu.memref_slice %arg6[%dma_wait3A_345, %dma_wait3A_347, %dma_wait3A_348] : memref<4x200x64xf32, #tpu.memory_space<vmem>> -> memref<1x96x64xf32, #tpu.memory_space<vmem>>
    %dma_wait3A_350 = tpu.memref_squeeze %dma_wait3A_349 : memref<1x96x64xf32, #tpu.memory_space<vmem>> -> memref<96x64xf32, #tpu.memory_space<vmem>>
    %dma_wait3A_351 = arith.constant 104 : i32
    %dma_wait3A_352 = tpu.memref_slice %arg5[%dma_wait3A_344, %dma_wait3A_351] : memref<128x256xi32, #tpu.memory_space<vmem>> -> memref<1x96xi32, #tpu.memory_space<vmem>>
    %dma_wait3A_353 = tpu.memref_squeeze %dma_wait3A_352 : memref<1x96xi32, #tpu.memory_space<vmem>> -> memref<96xi32, #tpu.memory_space<vmem>>
    %dma_wait3A_354 = arith.constant 0 : i32
    %dma_wait3A_355 = arith.constant 0 : i32
    %dma_wait3A_356 = tpu.memref_slice %arg3[%dma_wait3A_354, %dma_wait3A_355] : memref<1000000x64xf32, #tpu.memory_space<hbm>> -> memref<1000000x64xf32, #tpu.memory_space<hbm>>
    %dma_wait3A_357 = tpu.memref_slice %arg7[%dma_wait3A_346] : memref<4x!tpu.dma_semaphore, #tpu.memory_space<semaphore_mem>> -> memref<1x!tpu.dma_semaphore, #tpu.memory_space<semaphore_mem>>
    %dma_wait3A_358 = tpu.memref_squeeze %dma_wait3A_357 : memref<1x!tpu.dma_semaphore, #tpu.memory_space<semaphore_mem>> -> memref<!tpu.dma_semaphore, #tpu.memory_space<semaphore_mem>>
    tpu.wait_indirect_dma semaphore(%dma_wait3A_358 : memref<!tpu.dma_semaphore, #tpu.memory_space<semaphore_mem>>) src(%dma_wait3A_356 : memref<1000000x64xf32, #tpu.memory_space<hbm>>) dst(%dma_wait3A_350 : memref<96x64xf32, #tpu.memory_space<vmem>>)
    %add3A_359 = arith.constant 3 : i32
    %add3A_360 = arith.addi %mul3A_2, %add3A_359 : i32
    %dma_start3A_361 = arith.constant 3 : i32
    %dma_start3A_362 = arith.constant 3 : i32
    %dma_start3A_363 = arith.constant 0 : i32
    %dma_start3A_364 = arith.constant 0 : i32
    %dma_start3A_365 = tpu.memref_slice %arg6[%dma_start3A_361, %dma_start3A_363, %dma_start3A_364] : memref<4x200x64xf32, #tpu.memory_space<vmem>> -> memref<1x200x64xf32, #tpu.memory_space<vmem>>
    %dma_start3A_366 = tpu.memref_squeeze %dma_start3A_365 : memref<1x200x64xf32, #tpu.memory_space<vmem>> -> memref<200x64xf32, #tpu.memory_space<vmem>>
    %dma_start3A_367 = arith.constant 0 : i32
    %dma_start3A_368 = arith.constant 0 : i32
    %dma_start3A_369 = tpu.memref_slice %arg4[%add3A_360, %dma_start3A_367, %dma_start3A_368] : memref<4096x200x64xf32, #tpu.memory_space<hbm>> -> memref<1x200x64xf32, #tpu.memory_space<hbm>>
    %dma_start3A_370 = tpu.memref_squeeze %dma_start3A_369 : memref<1x200x64xf32, #tpu.memory_space<hbm>> -> memref<200x64xf32, #tpu.memory_space<hbm>>
    %dma_start3A_371 = tpu.memref_slice %arg8[%dma_start3A_362] : memref<4x!tpu.dma_semaphore, #tpu.memory_space<semaphore_mem>> -> memref<1x!tpu.dma_semaphore, #tpu.memory_space<semaphore_mem>>
    %dma_start3A_372 = tpu.memref_squeeze %dma_start3A_371 : memref<1x!tpu.dma_semaphore, #tpu.memory_space<semaphore_mem>> -> memref<!tpu.dma_semaphore, #tpu.memory_space<semaphore_mem>>
    %dma_start3A_373 = arith.constant 0 : i32
    %dma_start3A_374 = arith.constant 0 : i32
    %dma_start3A_375 = tpu.memref_slice %arg4[%add3A_360, %dma_start3A_373, %dma_start3A_374] : memref<4096x200x64xf32, #tpu.memory_space<hbm>> -> memref<1x200x64xf32, #tpu.memory_space<hbm>>
    %dma_start3A_376 = tpu.memref_squeeze %dma_start3A_375 : memref<1x200x64xf32, #tpu.memory_space<hbm>> -> memref<200x64xf32, #tpu.memory_space<hbm>>
    %dma_start3A_377 = arith.constant 0 : i32
    %dma_start3A_378 = arith.constant 0 : i32
    %dma_start3A_379 = tpu.memref_slice %arg6[%dma_start3A_361, %dma_start3A_377, %dma_start3A_378] : memref<4x200x64xf32, #tpu.memory_space<vmem>> -> memref<1x200x64xf32, #tpu.memory_space<vmem>>
    %dma_start3A_380 = tpu.memref_squeeze %dma_start3A_379 : memref<1x200x64xf32, #tpu.memory_space<vmem>> -> memref<200x64xf32, #tpu.memory_space<vmem>>
    tpu.enqueue_dma source(%dma_start3A_380 : memref<200x64xf32, #tpu.memory_space<vmem>>) target(%dma_start3A_376 : memref<200x64xf32, #tpu.memory_space<hbm>>) target_semaphore(%dma_start3A_372 : memref<!tpu.dma_semaphore, #tpu.memory_space<semaphore_mem>>)
    %add3A_381 = arith.constant 1 : i32
    %add3A_382 = arith.addi %mul3A_2, %add3A_381 : i32
    %dma_wait3A_383 = arith.constant 1 : i32
    %dma_wait3A_384 = arith.constant 1 : i32
    %dma_wait3A_385 = arith.constant 0 : i32
    %dma_wait3A_386 = arith.constant 0 : i32
    %dma_wait3A_387 = tpu.memref_slice %arg6[%dma_wait3A_383, %dma_wait3A_385, %dma_wait3A_386] : memref<4x200x64xf32, #tpu.memory_space<vmem>> -> memref<1x200x64xf32, #tpu.memory_space<vmem>>
    %dma_wait3A_388 = tpu.memref_squeeze %dma_wait3A_387 : memref<1x200x64xf32, #tpu.memory_space<vmem>> -> memref<200x64xf32, #tpu.memory_space<vmem>>
    %dma_wait3A_389 = arith.constant 0 : i32
    %dma_wait3A_390 = arith.constant 0 : i32
    %dma_wait3A_391 = tpu.memref_slice %arg4[%add3A_382, %dma_wait3A_389, %dma_wait3A_390] : memref<4096x200x64xf32, #tpu.memory_space<hbm>> -> memref<1x200x64xf32, #tpu.memory_space<hbm>>
    %dma_wait3A_392 = tpu.memref_squeeze %dma_wait3A_391 : memref<1x200x64xf32, #tpu.memory_space<hbm>> -> memref<200x64xf32, #tpu.memory_space<hbm>>
    %dma_wait3A_393 = tpu.memref_slice %arg8[%dma_wait3A_384] : memref<4x!tpu.dma_semaphore, #tpu.memory_space<semaphore_mem>> -> memref<1x!tpu.dma_semaphore, #tpu.memory_space<semaphore_mem>>
    %dma_wait3A_394 = tpu.memref_squeeze %dma_wait3A_393 : memref<1x!tpu.dma_semaphore, #tpu.memory_space<semaphore_mem>> -> memref<!tpu.dma_semaphore, #tpu.memory_space<semaphore_mem>>
    %dma_wait3A_395 = arith.constant 0 : i32
    %dma_wait3A_396 = arith.constant 0 : i32
    %dma_wait3A_397 = tpu.memref_slice %arg4[%add3A_382, %dma_wait3A_395, %dma_wait3A_396] : memref<4096x200x64xf32, #tpu.memory_space<hbm>> -> memref<1x200x64xf32, #tpu.memory_space<hbm>>
    %dma_wait3A_398 = tpu.memref_squeeze %dma_wait3A_397 : memref<1x200x64xf32, #tpu.memory_space<hbm>> -> memref<200x64xf32, #tpu.memory_space<hbm>>
    %dma_wait3A_399 = arith.constant 0 : i32
    %dma_wait3A_400 = arith.constant 0 : i32
    %dma_wait3A_401 = tpu.memref_slice %arg6[%dma_wait3A_383, %dma_wait3A_399, %dma_wait3A_400] : memref<4x200x64xf32, #tpu.memory_space<vmem>> -> memref<1x200x64xf32, #tpu.memory_space<vmem>>
    %dma_wait3A_402 = tpu.memref_squeeze %dma_wait3A_401 : memref<1x200x64xf32, #tpu.memory_space<vmem>> -> memref<200x64xf32, #tpu.memory_space<vmem>>
    tpu.wait_dma2 semaphore(%dma_wait3A_394 : memref<!tpu.dma_semaphore, #tpu.memory_space<semaphore_mem>>) src(%dma_wait3A_402 : memref<200x64xf32, #tpu.memory_space<vmem>>) dst(%dma_wait3A_398 : memref<200x64xf32, #tpu.memory_space<hbm>>)
    %dma_start3A_403 = arith.constant 5 : i32
    %dma_start3A_404 = arith.constant 1 : i32
    %dma_start3A_405 = arith.constant 1 : i32
    %dma_start3A_406 = arith.constant 0 : i32
    %dma_start3A_407 = arith.constant 0 : i32
    %dma_start3A_408 = tpu.memref_slice %arg6[%dma_start3A_404, %dma_start3A_406, %dma_start3A_407] : memref<4x200x64xf32, #tpu.memory_space<vmem>> -> memref<1x104x64xf32, #tpu.memory_space<vmem>>
    %dma_start3A_409 = tpu.memref_squeeze %dma_start3A_408 : memref<1x104x64xf32, #tpu.memory_space<vmem>> -> memref<104x64xf32, #tpu.memory_space<vmem>>
    %dma_start3A_410 = arith.constant 0 : i32
    %dma_start3A_411 = tpu.memref_slice %arg5[%dma_start3A_403, %dma_start3A_410] : memref<128x256xi32, #tpu.memory_space<vmem>> -> memref<1x104xi32, #tpu.memory_space<vmem>>
    %dma_start3A_412 = tpu.memref_squeeze %dma_start3A_411 : memref<1x104xi32, #tpu.memory_space<vmem>> -> memref<104xi32, #tpu.memory_space<vmem>>
    %dma_start3A_413 = arith.constant 0 : i32
    %dma_start3A_414 = arith.constant 0 : i32
    %dma_start3A_415 = tpu.memref_slice %arg3[%dma_start3A_413, %dma_start3A_414] : memref<1000000x64xf32, #tpu.memory_space<hbm>> -> memref<1000000x64xf32, #tpu.memory_space<hbm>>
    %dma_start3A_416 = tpu.memref_slice %arg7[%dma_start3A_405] : memref<4x!tpu.dma_semaphore, #tpu.memory_space<semaphore_mem>> -> memref<1x!tpu.dma_semaphore, #tpu.memory_space<semaphore_mem>>
    %dma_start3A_417 = tpu.memref_squeeze %dma_start3A_416 : memref<1x!tpu.dma_semaphore, #tpu.memory_space<semaphore_mem>> -> memref<!tpu.dma_semaphore, #tpu.memory_space<semaphore_mem>>
    tpu.enqueue_indirect_dma source(%dma_start3A_415 : memref<1000000x64xf32, #tpu.memory_space<hbm>>) target(%dma_start3A_409 : memref<104x64xf32, #tpu.memory_space<vmem>>) offsets(%dma_start3A_412 : memref<104xi32, #tpu.memory_space<vmem>>) semaphore(%dma_start3A_417 : memref<!tpu.dma_semaphore, #tpu.memory_space<semaphore_mem>>)
    %dma_start3A_418 = arith.constant 5 : i32
    %dma_start3A_419 = arith.constant 1 : i32
    %dma_start3A_420 = arith.constant 1 : i32
    %dma_start3A_421 = arith.constant 104 : i32
    %dma_start3A_422 = arith.constant 0 : i32
    %dma_start3A_423 = tpu.memref_slice %arg6[%dma_start3A_419, %dma_start3A_421, %dma_start3A_422] : memref<4x200x64xf32, #tpu.memory_space<vmem>> -> memref<1x96x64xf32, #tpu.memory_space<vmem>>
    %dma_start3A_424 = tpu.memref_squeeze %dma_start3A_423 : memref<1x96x64xf32, #tpu.memory_space<vmem>> -> memref<96x64xf32, #tpu.memory_space<vmem>>
    %dma_start3A_425 = arith.constant 104 : i32
    %dma_start3A_426 = tpu.memref_slice %arg5[%dma_start3A_418, %dma_start3A_425] : memref<128x256xi32, #tpu.memory_space<vmem>> -> memref<1x96xi32, #tpu.memory_space<vmem>>
    %dma_start3A_427 = tpu.memref_squeeze %dma_start3A_426 : memref<1x96xi32, #tpu.memory_space<vmem>> -> memref<96xi32, #tpu.memory_space<vmem>>
    %dma_start3A_428 = arith.constant 0 : i32
    %dma_start3A_429 = arith.constant 0 : i32
    %dma_start3A_430 = tpu.memref_slice %arg3[%dma_start3A_428, %dma_start3A_429] : memref<1000000x64xf32, #tpu.memory_space<hbm>> -> memref<1000000x64xf32, #tpu.memory_space<hbm>>
    %dma_start3A_431 = tpu.memref_slice %arg7[%dma_start3A_420] : memref<4x!tpu.dma_semaphore, #tpu.memory_space<semaphore_mem>> -> memref<1x!tpu.dma_semaphore, #tpu.memory_space<semaphore_mem>>
    %dma_start3A_432 = tpu.memref_squeeze %dma_start3A_431 : memref<1x!tpu.dma_semaphore, #tpu.memory_space<semaphore_mem>> -> memref<!tpu.dma_semaphore, #tpu.memory_space<semaphore_mem>>
    tpu.enqueue_indirect_dma source(%dma_start3A_430 : memref<1000000x64xf32, #tpu.memory_space<hbm>>) target(%dma_start3A_424 : memref<96x64xf32, #tpu.memory_space<vmem>>) offsets(%dma_start3A_427 : memref<96xi32, #tpu.memory_space<vmem>>) semaphore(%dma_start3A_432 : memref<!tpu.dma_semaphore, #tpu.memory_space<semaphore_mem>>)
    %scan3A = arith.constant 0 : i32
    %scan3A_433 = arith.constant 30 : i32
    %scan3A_434 = arith.addi %scan3A, %scan3A_433 : i32
    %scan3A_435 = arith.constant 1 : i32
    scf.for %scan3A_837 = %scan3A to %scan3A_434 step %scan3A_435  : i32 {
      %mul3A_838 = arith.constant 4 : i32
      %mul3A_839 = arith.muli %scan3A_837, %mul3A_838 : i32
      %add3A_840 = arith.constant 4 : i32
      %add3A_841 = arith.addi %add3A_840, %mul3A_839 : i32
      %add3A_842 = arith.constant 0 : i32
      %add3A_843 = arith.addi %add3A_841, %add3A_842 : i32
      %dma_wait3A_844 = arith.constant 0 : i32
      %dma_wait3A_845 = arith.constant 0 : i32
      %dma_wait3A_846 = arith.constant 0 : i32
      %dma_wait3A_847 = arith.constant 0 : i32
      %dma_wait3A_848 = tpu.memref_slice %arg6[%dma_wait3A_844, %dma_wait3A_846, %dma_wait3A_847] : memref<4x200x64xf32, #tpu.memory_space<vmem>> -> memref<1x104x64xf32, #tpu.memory_space<vmem>>
      %dma_wait3A_849 = tpu.memref_squeeze %dma_wait3A_848 : memref<1x104x64xf32, #tpu.memory_space<vmem>> -> memref<104x64xf32, #tpu.memory_space<vmem>>
      %dma_wait3A_850 = arith.constant 0 : i32
      %dma_wait3A_851 = tpu.memref_slice %arg5[%add3A_843, %dma_wait3A_850] : memref<128x256xi32, #tpu.memory_space<vmem>> -> memref<1x104xi32, #tpu.memory_space<vmem>>
      %dma_wait3A_852 = tpu.memref_squeeze %dma_wait3A_851 : memref<1x104xi32, #tpu.memory_space<vmem>> -> memref<104xi32, #tpu.memory_space<vmem>>
      %dma_wait3A_853 = arith.constant 0 : i32
      %dma_wait3A_854 = arith.constant 0 : i32
      %dma_wait3A_855 = tpu.memref_slice %arg3[%dma_wait3A_853, %dma_wait3A_854] : memref<1000000x64xf32, #tpu.memory_space<hbm>> -> memref<1000000x64xf32, #tpu.memory_space<hbm>>
      %dma_wait3A_856 = tpu.memref_slice %arg7[%dma_wait3A_845] : memref<4x!tpu.dma_semaphore, #tpu.memory_space<semaphore_mem>> -> memref<1x!tpu.dma_semaphore, #tpu.memory_space<semaphore_mem>>
      %dma_wait3A_857 = tpu.memref_squeeze %dma_wait3A_856 : memref<1x!tpu.dma_semaphore, #tpu.memory_space<semaphore_mem>> -> memref<!tpu.dma_semaphore, #tpu.memory_space<semaphore_mem>>
      tpu.wait_indirect_dma semaphore(%dma_wait3A_857 : memref<!tpu.dma_semaphore, #tpu.memory_space<semaphore_mem>>) src(%dma_wait3A_855 : memref<1000000x64xf32, #tpu.memory_space<hbm>>) dst(%dma_wait3A_849 : memref<104x64xf32, #tpu.memory_space<vmem>>)
      %dma_wait3A_858 = arith.constant 0 : i32
      %dma_wait3A_859 = arith.constant 0 : i32
      %dma_wait3A_860 = arith.constant 104 : i32
      %dma_wait3A_861 = arith.constant 0 : i32
      %dma_wait3A_862 = tpu.memref_slice %arg6[%dma_wait3A_858, %dma_wait3A_860, %dma_wait3A_861] : memref<4x200x64xf32, #tpu.memory_space<vmem>> -> memref<1x96x64xf32, #tpu.memory_space<vmem>>
      %dma_wait3A_863 = tpu.memref_squeeze %dma_wait3A_862 : memref<1x96x64xf32, #tpu.memory_space<vmem>> -> memref<96x64xf32, #tpu.memory_space<vmem>>
      %dma_wait3A_864 = arith.constant 104 : i32
      %dma_wait3A_865 = tpu.memref_slice %arg5[%add3A_843, %dma_wait3A_864] : memref<128x256xi32, #tpu.memory_space<vmem>> -> memref<1x96xi32, #tpu.memory_space<vmem>>
      %dma_wait3A_866 = tpu.memref_squeeze %dma_wait3A_865 : memref<1x96xi32, #tpu.memory_space<vmem>> -> memref<96xi32, #tpu.memory_space<vmem>>
      %dma_wait3A_867 = arith.constant 0 : i32
      %dma_wait3A_868 = arith.constant 0 : i32
      %dma_wait3A_869 = tpu.memref_slice %arg3[%dma_wait3A_867, %dma_wait3A_868] : memref<1000000x64xf32, #tpu.memory_space<hbm>> -> memref<1000000x64xf32, #tpu.memory_space<hbm>>
      %dma_wait3A_870 = tpu.memref_slice %arg7[%dma_wait3A_859] : memref<4x!tpu.dma_semaphore, #tpu.memory_space<semaphore_mem>> -> memref<1x!tpu.dma_semaphore, #tpu.memory_space<semaphore_mem>>
      %dma_wait3A_871 = tpu.memref_squeeze %dma_wait3A_870 : memref<1x!tpu.dma_semaphore, #tpu.memory_space<semaphore_mem>> -> memref<!tpu.dma_semaphore, #tpu.memory_space<semaphore_mem>>
      tpu.wait_indirect_dma semaphore(%dma_wait3A_871 : memref<!tpu.dma_semaphore, #tpu.memory_space<semaphore_mem>>) src(%dma_wait3A_869 : memref<1000000x64xf32, #tpu.memory_space<hbm>>) dst(%dma_wait3A_863 : memref<96x64xf32, #tpu.memory_space<vmem>>)
      %add3A_872 = arith.addi %mul3A_2, %add3A_843 : i32
      %dma_start3A_873 = arith.constant 0 : i32
      %dma_start3A_874 = arith.constant 0 : i32
      %dma_start3A_875 = arith.constant 0 : i32
      %dma_start3A_876 = arith.constant 0 : i32
      %dma_start3A_877 = tpu.memref_slice %arg6[%dma_start3A_873, %dma_start3A_875, %dma_start3A_876] : memref<4x200x64xf32, #tpu.memory_space<vmem>> -> memref<1x200x64xf32, #tpu.memory_space<vmem>>
      %dma_start3A_878 = tpu.memref_squeeze %dma_start3A_877 : memref<1x200x64xf32, #tpu.memory_space<vmem>> -> memref<200x64xf32, #tpu.memory_space<vmem>>
      %dma_start3A_879 = arith.constant 0 : i32
      %dma_start3A_880 = arith.constant 0 : i32
      %dma_start3A_881 = tpu.memref_slice %arg4[%add3A_872, %dma_start3A_879, %dma_start3A_880] : memref<4096x200x64xf32, #tpu.memory_space<hbm>> -> memref<1x200x64xf32, #tpu.memory_space<hbm>>
      %dma_start3A_882 = tpu.memref_squeeze %dma_start3A_881 : memref<1x200x64xf32, #tpu.memory_space<hbm>> -> memref<200x64xf32, #tpu.memory_space<hbm>>
      %dma_start3A_883 = tpu.memref_slice %arg8[%dma_start3A_874] : memref<4x!tpu.dma_semaphore, #tpu.memory_space<semaphore_mem>> -> memref<1x!tpu.dma_semaphore, #tpu.memory_space<semaphore_mem>>
      %dma_start3A_884 = tpu.memref_squeeze %dma_start3A_883 : memref<1x!tpu.dma_semaphore, #tpu.memory_space<semaphore_mem>> -> memref<!tpu.dma_semaphore, #tpu.memory_space<semaphore_mem>>
      %dma_start3A_885 = arith.constant 0 : i32
      %dma_start3A_886 = arith.constant 0 : i32
      %dma_start3A_887 = tpu.memref_slice %arg4[%add3A_872, %dma_start3A_885, %dma_start3A_886] : memref<4096x200x64xf32, #tpu.memory_space<hbm>> -> memref<1x200x64xf32, #tpu.memory_space<hbm>>
      %dma_start3A_888 = tpu.memref_squeeze %dma_start3A_887 : memref<1x200x64xf32, #tpu.memory_space<hbm>> -> memref<200x64xf32, #tpu.memory_space<hbm>>
      %dma_start3A_889 = arith.constant 0 : i32
      %dma_start3A_890 = arith.constant 0 : i32
      %dma_start3A_891 = tpu.memref_slice %arg6[%dma_start3A_873, %dma_start3A_889, %dma_start3A_890] : memref<4x200x64xf32, #tpu.memory_space<vmem>> -> memref<1x200x64xf32, #tpu.memory_space<vmem>>
      %dma_start3A_892 = tpu.memref_squeeze %dma_start3A_891 : memref<1x200x64xf32, #tpu.memory_space<vmem>> -> memref<200x64xf32, #tpu.memory_space<vmem>>
      tpu.enqueue_dma source(%dma_start3A_892 : memref<200x64xf32, #tpu.memory_space<vmem>>) target(%dma_start3A_888 : memref<200x64xf32, #tpu.memory_space<hbm>>) target_semaphore(%dma_start3A_884 : memref<!tpu.dma_semaphore, #tpu.memory_space<semaphore_mem>>)
      %add3A_893 = arith.constant 2 : i32
      %add3A_894 = arith.addi %add3A_843, %add3A_893 : i32
      %sub3A = arith.constant 4 : i32
      %sub3A_895 = arith.subi %add3A_894, %sub3A : i32
      %add3A_896 = arith.addi %mul3A_2, %sub3A_895 : i32
      %dma_wait3A_897 = arith.constant 2 : i32
      %dma_wait3A_898 = arith.constant 2 : i32
      %dma_wait3A_899 = arith.constant 0 : i32
      %dma_wait3A_900 = arith.constant 0 : i32
      %dma_wait3A_901 = tpu.memref_slice %arg6[%dma_wait3A_897, %dma_wait3A_899, %dma_wait3A_900] : memref<4x200x64xf32, #tpu.memory_space<vmem>> -> memref<1x200x64xf32, #tpu.memory_space<vmem>>
      %dma_wait3A_902 = tpu.memref_squeeze %dma_wait3A_901 : memref<1x200x64xf32, #tpu.memory_space<vmem>> -> memref<200x64xf32, #tpu.memory_space<vmem>>
      %dma_wait3A_903 = arith.constant 0 : i32
      %dma_wait3A_904 = arith.constant 0 : i32
      %dma_wait3A_905 = tpu.memref_slice %arg4[%add3A_896, %dma_wait3A_903, %dma_wait3A_904] : memref<4096x200x64xf32, #tpu.memory_space<hbm>> -> memref<1x200x64xf32, #tpu.memory_space<hbm>>
      %dma_wait3A_906 = tpu.memref_squeeze %dma_wait3A_905 : memref<1x200x64xf32, #tpu.memory_space<hbm>> -> memref<200x64xf32, #tpu.memory_space<hbm>>
      %dma_wait3A_907 = tpu.memref_slice %arg8[%dma_wait3A_898] : memref<4x!tpu.dma_semaphore, #tpu.memory_space<semaphore_mem>> -> memref<1x!tpu.dma_semaphore, #tpu.memory_space<semaphore_mem>>
      %dma_wait3A_908 = tpu.memref_squeeze %dma_wait3A_907 : memref<1x!tpu.dma_semaphore, #tpu.memory_space<semaphore_mem>> -> memref<!tpu.dma_semaphore, #tpu.memory_space<semaphore_mem>>
      %dma_wait3A_909 = arith.constant 0 : i32
      %dma_wait3A_910 = arith.constant 0 : i32
      %dma_wait3A_911 = tpu.memref_slice %arg4[%add3A_896, %dma_wait3A_909, %dma_wait3A_910] : memref<4096x200x64xf32, #tpu.memory_space<hbm>> -> memref<1x200x64xf32, #tpu.memory_space<hbm>>
      %dma_wait3A_912 = tpu.memref_squeeze %dma_wait3A_911 : memref<1x200x64xf32, #tpu.memory_space<hbm>> -> memref<200x64xf32, #tpu.memory_space<hbm>>
      %dma_wait3A_913 = arith.constant 0 : i32
      %dma_wait3A_914 = arith.constant 0 : i32
      %dma_wait3A_915 = tpu.memref_slice %arg6[%dma_wait3A_897, %dma_wait3A_913, %dma_wait3A_914] : memref<4x200x64xf32, #tpu.memory_space<vmem>> -> memref<1x200x64xf32, #tpu.memory_space<vmem>>
      %dma_wait3A_916 = tpu.memref_squeeze %dma_wait3A_915 : memref<1x200x64xf32, #tpu.memory_space<vmem>> -> memref<200x64xf32, #tpu.memory_space<vmem>>
      tpu.wait_dma2 semaphore(%dma_wait3A_908 : memref<!tpu.dma_semaphore, #tpu.memory_space<semaphore_mem>>) src(%dma_wait3A_916 : memref<200x64xf32, #tpu.memory_space<vmem>>) dst(%dma_wait3A_912 : memref<200x64xf32, #tpu.memory_space<hbm>>)
      %dma_start3A_917 = arith.constant 2 : i32
      %dma_start3A_918 = arith.constant 2 : i32
      %dma_start3A_919 = arith.constant 0 : i32
      %dma_start3A_920 = arith.constant 0 : i32
      %dma_start3A_921 = tpu.memref_slice %arg6[%dma_start3A_917, %dma_start3A_919, %dma_start3A_920] : memref<4x200x64xf32, #tpu.memory_space<vmem>> -> memref<1x104x64xf32, #tpu.memory_space<vmem>>
      %dma_start3A_922 = tpu.memref_squeeze %dma_start3A_921 : memref<1x104x64xf32, #tpu.memory_space<vmem>> -> memref<104x64xf32, #tpu.memory_space<vmem>>
      %dma_start3A_923 = arith.constant 0 : i32
      %dma_start3A_924 = tpu.memref_slice %arg5[%add3A_894, %dma_start3A_923] : memref<128x256xi32, #tpu.memory_space<vmem>> -> memref<1x104xi32, #tpu.memory_space<vmem>>
      %dma_start3A_925 = tpu.memref_squeeze %dma_start3A_924 : memref<1x104xi32, #tpu.memory_space<vmem>> -> memref<104xi32, #tpu.memory_space<vmem>>
      %dma_start3A_926 = arith.constant 0 : i32
      %dma_start3A_927 = arith.constant 0 : i32
      %dma_start3A_928 = tpu.memref_slice %arg3[%dma_start3A_926, %dma_start3A_927] : memref<1000000x64xf32, #tpu.memory_space<hbm>> -> memref<1000000x64xf32, #tpu.memory_space<hbm>>
      %dma_start3A_929 = tpu.memref_slice %arg7[%dma_start3A_918] : memref<4x!tpu.dma_semaphore, #tpu.memory_space<semaphore_mem>> -> memref<1x!tpu.dma_semaphore, #tpu.memory_space<semaphore_mem>>
      %dma_start3A_930 = tpu.memref_squeeze %dma_start3A_929 : memref<1x!tpu.dma_semaphore, #tpu.memory_space<semaphore_mem>> -> memref<!tpu.dma_semaphore, #tpu.memory_space<semaphore_mem>>
      tpu.enqueue_indirect_dma source(%dma_start3A_928 : memref<1000000x64xf32, #tpu.memory_space<hbm>>) target(%dma_start3A_922 : memref<104x64xf32, #tpu.memory_space<vmem>>) offsets(%dma_start3A_925 : memref<104xi32, #tpu.memory_space<vmem>>) semaphore(%dma_start3A_930 : memref<!tpu.dma_semaphore, #tpu.memory_space<semaphore_mem>>)
      %dma_start3A_931 = arith.constant 2 : i32
      %dma_start3A_932 = arith.constant 2 : i32
      %dma_start3A_933 = arith.constant 104 : i32
      %dma_start3A_934 = arith.constant 0 : i32
      %dma_start3A_935 = tpu.memref_slice %arg6[%dma_start3A_931, %dma_start3A_933, %dma_start3A_934] : memref<4x200x64xf32, #tpu.memory_space<vmem>> -> memref<1x96x64xf32, #tpu.memory_space<vmem>>
      %dma_start3A_936 = tpu.memref_squeeze %dma_start3A_935 : memref<1x96x64xf32, #tpu.memory_space<vmem>> -> memref<96x64xf32, #tpu.memory_space<vmem>>
      %dma_start3A_937 = arith.constant 104 : i32
      %dma_start3A_938 = tpu.memref_slice %arg5[%add3A_894, %dma_start3A_937] : memref<128x256xi32, #tpu.memory_space<vmem>> -> memref<1x96xi32, #tpu.memory_space<vmem>>
      %dma_start3A_939 = tpu.memref_squeeze %dma_start3A_938 : memref<1x96xi32, #tpu.memory_space<vmem>> -> memref<96xi32, #tpu.memory_space<vmem>>
      %dma_start3A_940 = arith.constant 0 : i32
      %dma_start3A_941 = arith.constant 0 : i32
      %dma_start3A_942 = tpu.memref_slice %arg3[%dma_start3A_940, %dma_start3A_941] : memref<1000000x64xf32, #tpu.memory_space<hbm>> -> memref<1000000x64xf32, #tpu.memory_space<hbm>>
      %dma_start3A_943 = tpu.memref_slice %arg7[%dma_start3A_932] : memref<4x!tpu.dma_semaphore, #tpu.memory_space<semaphore_mem>> -> memref<1x!tpu.dma_semaphore, #tpu.memory_space<semaphore_mem>>
      %dma_start3A_944 = tpu.memref_squeeze %dma_start3A_943 : memref<1x!tpu.dma_semaphore, #tpu.memory_space<semaphore_mem>> -> memref<!tpu.dma_semaphore, #tpu.memory_space<semaphore_mem>>
      tpu.enqueue_indirect_dma source(%dma_start3A_942 : memref<1000000x64xf32, #tpu.memory_space<hbm>>) target(%dma_start3A_936 : memref<96x64xf32, #tpu.memory_space<vmem>>) offsets(%dma_start3A_939 : memref<96xi32, #tpu.memory_space<vmem>>) semaphore(%dma_start3A_944 : memref<!tpu.dma_semaphore, #tpu.memory_space<semaphore_mem>>)
      %add3A_945 = arith.constant 1 : i32
      %add3A_946 = arith.addi %add3A_841, %add3A_945 : i32
      %dma_wait3A_947 = arith.constant 1 : i32
      %dma_wait3A_948 = arith.constant 1 : i32
      %dma_wait3A_949 = arith.constant 0 : i32
      %dma_wait3A_950 = arith.constant 0 : i32
      %dma_wait3A_951 = tpu.memref_slice %arg6[%dma_wait3A_947, %dma_wait3A_949, %dma_wait3A_950] : memref<4x200x64xf32, #tpu.memory_space<vmem>> -> memref<1x104x64xf32, #tpu.memory_space<vmem>>
      %dma_wait3A_952 = tpu.memref_squeeze %dma_wait3A_951 : memref<1x104x64xf32, #tpu.memory_space<vmem>> -> memref<104x64xf32, #tpu.memory_space<vmem>>
      %dma_wait3A_953 = arith.constant 0 : i32
      %dma_wait3A_954 = tpu.memref_slice %arg5[%add3A_946, %dma_wait3A_953] : memref<128x256xi32, #tpu.memory_space<vmem>> -> memref<1x104xi32, #tpu.memory_space<vmem>>
      %dma_wait3A_955 = tpu.memref_squeeze %dma_wait3A_954 : memref<1x104xi32, #tpu.memory_space<vmem>> -> memref<104xi32, #tpu.memory_space<vmem>>
      %dma_wait3A_956 = arith.constant 0 : i32
      %dma_wait3A_957 = arith.constant 0 : i32
      %dma_wait3A_958 = tpu.memref_slice %arg3[%dma_wait3A_956, %dma_wait3A_957] : memref<1000000x64xf32, #tpu.memory_space<hbm>> -> memref<1000000x64xf32, #tpu.memory_space<hbm>>
      %dma_wait3A_959 = tpu.memref_slice %arg7[%dma_wait3A_948] : memref<4x!tpu.dma_semaphore, #tpu.memory_space<semaphore_mem>> -> memref<1x!tpu.dma_semaphore, #tpu.memory_space<semaphore_mem>>
      %dma_wait3A_960 = tpu.memref_squeeze %dma_wait3A_959 : memref<1x!tpu.dma_semaphore, #tpu.memory_space<semaphore_mem>> -> memref<!tpu.dma_semaphore, #tpu.memory_space<semaphore_mem>>
      tpu.wait_indirect_dma semaphore(%dma_wait3A_960 : memref<!tpu.dma_semaphore, #tpu.memory_space<semaphore_mem>>) src(%dma_wait3A_958 : memref<1000000x64xf32, #tpu.memory_space<hbm>>) dst(%dma_wait3A_952 : memref<104x64xf32, #tpu.memory_space<vmem>>)
      %dma_wait3A_961 = arith.constant 1 : i32
      %dma_wait3A_962 = arith.constant 1 : i32
      %dma_wait3A_963 = arith.constant 104 : i32
      %dma_wait3A_964 = arith.constant 0 : i32
      %dma_wait3A_965 = tpu.memref_slice %arg6[%dma_wait3A_961, %dma_wait3A_963, %dma_wait3A_964] : memref<4x200x64xf32, #tpu.memory_space<vmem>> -> memref<1x96x64xf32, #tpu.memory_space<vmem>>
      %dma_wait3A_966 = tpu.memref_squeeze %dma_wait3A_965 : memref<1x96x64xf32, #tpu.memory_space<vmem>> -> memref<96x64xf32, #tpu.memory_space<vmem>>
      %dma_wait3A_967 = arith.constant 104 : i32
      %dma_wait3A_968 = tpu.memref_slice %arg5[%add3A_946, %dma_wait3A_967] : memref<128x256xi32, #tpu.memory_space<vmem>> -> memref<1x96xi32, #tpu.memory_space<vmem>>
      %dma_wait3A_969 = tpu.memref_squeeze %dma_wait3A_968 : memref<1x96xi32, #tpu.memory_space<vmem>> -> memref<96xi32, #tpu.memory_space<vmem>>
      %dma_wait3A_970 = arith.constant 0 : i32
      %dma_wait3A_971 = arith.constant 0 : i32
      %dma_wait3A_972 = tpu.memref_slice %arg3[%dma_wait3A_970, %dma_wait3A_971] : memref<1000000x64xf32, #tpu.memory_space<hbm>> -> memref<1000000x64xf32, #tpu.memory_space<hbm>>
      %dma_wait3A_973 = tpu.memref_slice %arg7[%dma_wait3A_962] : memref<4x!tpu.dma_semaphore, #tpu.memory_space<semaphore_mem>> -> memref<1x!tpu.dma_semaphore, #tpu.memory_space<semaphore_mem>>
      %dma_wait3A_974 = tpu.memref_squeeze %dma_wait3A_973 : memref<1x!tpu.dma_semaphore, #tpu.memory_space<semaphore_mem>> -> memref<!tpu.dma_semaphore, #tpu.memory_space<semaphore_mem>>
      tpu.wait_indirect_dma semaphore(%dma_wait3A_974 : memref<!tpu.dma_semaphore, #tpu.memory_space<semaphore_mem>>) src(%dma_wait3A_972 : memref<1000000x64xf32, #tpu.memory_space<hbm>>) dst(%dma_wait3A_966 : memref<96x64xf32, #tpu.memory_space<vmem>>)
      %add3A_975 = arith.addi %mul3A_2, %add3A_946 : i32
      %dma_start3A_976 = arith.constant 1 : i32
      %dma_start3A_977 = arith.constant 1 : i32
      %dma_start3A_978 = arith.constant 0 : i32
      %dma_start3A_979 = arith.constant 0 : i32
      %dma_start3A_980 = tpu.memref_slice %arg6[%dma_start3A_976, %dma_start3A_978, %dma_start3A_979] : memref<4x200x64xf32, #tpu.memory_space<vmem>> -> memref<1x200x64xf32, #tpu.memory_space<vmem>>
      %dma_start3A_981 = tpu.memref_squeeze %dma_start3A_980 : memref<1x200x64xf32, #tpu.memory_space<vmem>> -> memref<200x64xf32, #tpu.memory_space<vmem>>
      %dma_start3A_982 = arith.constant 0 : i32
      %dma_start3A_983 = arith.constant 0 : i32
      %dma_start3A_984 = tpu.memref_slice %arg4[%add3A_975, %dma_start3A_982, %dma_start3A_983] : memref<4096x200x64xf32, #tpu.memory_space<hbm>> -> memref<1x200x64xf32, #tpu.memory_space<hbm>>
      %dma_start3A_985 = tpu.memref_squeeze %dma_start3A_984 : memref<1x200x64xf32, #tpu.memory_space<hbm>> -> memref<200x64xf32, #tpu.memory_space<hbm>>
      %dma_start3A_986 = tpu.memref_slice %arg8[%dma_start3A_977] : memref<4x!tpu.dma_semaphore, #tpu.memory_space<semaphore_mem>> -> memref<1x!tpu.dma_semaphore, #tpu.memory_space<semaphore_mem>>
      %dma_start3A_987 = tpu.memref_squeeze %dma_start3A_986 : memref<1x!tpu.dma_semaphore, #tpu.memory_space<semaphore_mem>> -> memref<!tpu.dma_semaphore, #tpu.memory_space<semaphore_mem>>
      %dma_start3A_988 = arith.constant 0 : i32
      %dma_start3A_989 = arith.constant 0 : i32
      %dma_start3A_990 = tpu.memref_slice %arg4[%add3A_975, %dma_start3A_988, %dma_start3A_989] : memref<4096x200x64xf32, #tpu.memory_space<hbm>> -> memref<1x200x64xf32, #tpu.memory_space<hbm>>
      %dma_start3A_991 = tpu.memref_squeeze %dma_start3A_990 : memref<1x200x64xf32, #tpu.memory_space<hbm>> -> memref<200x64xf32, #tpu.memory_space<hbm>>
      %dma_start3A_992 = arith.constant 0 : i32
      %dma_start3A_993 = arith.constant 0 : i32
      %dma_start3A_994 = tpu.memref_slice %arg6[%dma_start3A_976, %dma_start3A_992, %dma_start3A_993] : memref<4x200x64xf32, #tpu.memory_space<vmem>> -> memref<1x200x64xf32, #tpu.memory_space<vmem>>
      %dma_start3A_995 = tpu.memref_squeeze %dma_start3A_994 : memref<1x200x64xf32, #tpu.memory_space<vmem>> -> memref<200x64xf32, #tpu.memory_space<vmem>>
      tpu.enqueue_dma source(%dma_start3A_995 : memref<200x64xf32, #tpu.memory_space<vmem>>) target(%dma_start3A_991 : memref<200x64xf32, #tpu.memory_space<hbm>>) target_semaphore(%dma_start3A_987 : memref<!tpu.dma_semaphore, #tpu.memory_space<semaphore_mem>>)
      %add3A_996 = arith.constant 2 : i32
      %add3A_997 = arith.addi %add3A_946, %add3A_996 : i32
      %sub3A_998 = arith.constant 4 : i32
      %sub3A_999 = arith.subi %add3A_997, %sub3A_998 : i32
      %add3A_1000 = arith.addi %mul3A_2, %sub3A_999 : i32
      %dma_wait3A_1001 = arith.constant 3 : i32
      %dma_wait3A_1002 = arith.constant 3 : i32
      %dma_wait3A_1003 = arith.constant 0 : i32
      %dma_wait3A_1004 = arith.constant 0 : i32
      %dma_wait3A_1005 = tpu.memref_slice %arg6[%dma_wait3A_1001, %dma_wait3A_1003, %dma_wait3A_1004] : memref<4x200x64xf32, #tpu.memory_space<vmem>> -> memref<1x200x64xf32, #tpu.memory_space<vmem>>
      %dma_wait3A_1006 = tpu.memref_squeeze %dma_wait3A_1005 : memref<1x200x64xf32, #tpu.memory_space<vmem>> -> memref<200x64xf32, #tpu.memory_space<vmem>>
      %dma_wait3A_1007 = arith.constant 0 : i32
      %dma_wait3A_1008 = arith.constant 0 : i32
      %dma_wait3A_1009 = tpu.memref_slice %arg4[%add3A_1000, %dma_wait3A_1007, %dma_wait3A_1008] : memref<4096x200x64xf32, #tpu.memory_space<hbm>> -> memref<1x200x64xf32, #tpu.memory_space<hbm>>
      %dma_wait3A_1010 = tpu.memref_squeeze %dma_wait3A_1009 : memref<1x200x64xf32, #tpu.memory_space<hbm>> -> memref<200x64xf32, #tpu.memory_space<hbm>>
      %dma_wait3A_1011 = tpu.memref_slice %arg8[%dma_wait3A_1002] : memref<4x!tpu.dma_semaphore, #tpu.memory_space<semaphore_mem>> -> memref<1x!tpu.dma_semaphore, #tpu.memory_space<semaphore_mem>>
      %dma_wait3A_1012 = tpu.memref_squeeze %dma_wait3A_1011 : memref<1x!tpu.dma_semaphore, #tpu.memory_space<semaphore_mem>> -> memref<!tpu.dma_semaphore, #tpu.memory_space<semaphore_mem>>
      %dma_wait3A_1013 = arith.constant 0 : i32
      %dma_wait3A_1014 = arith.constant 0 : i32
      %dma_wait3A_1015 = tpu.memref_slice %arg4[%add3A_1000, %dma_wait3A_1013, %dma_wait3A_1014] : memref<4096x200x64xf32, #tpu.memory_space<hbm>> -> memref<1x200x64xf32, #tpu.memory_space<hbm>>
      %dma_wait3A_1016 = tpu.memref_squeeze %dma_wait3A_1015 : memref<1x200x64xf32, #tpu.memory_space<hbm>> -> memref<200x64xf32, #tpu.memory_space<hbm>>
      %dma_wait3A_1017 = arith.constant 0 : i32
      %dma_wait3A_1018 = arith.constant 0 : i32
      %dma_wait3A_1019 = tpu.memref_slice %arg6[%dma_wait3A_1001, %dma_wait3A_1017, %dma_wait3A_1018] : memref<4x200x64xf32, #tpu.memory_space<vmem>> -> memref<1x200x64xf32, #tpu.memory_space<vmem>>
      %dma_wait3A_1020 = tpu.memref_squeeze %dma_wait3A_1019 : memref<1x200x64xf32, #tpu.memory_space<vmem>> -> memref<200x64xf32, #tpu.memory_space<vmem>>
      tpu.wait_dma2 semaphore(%dma_wait3A_1012 : memref<!tpu.dma_semaphore, #tpu.memory_space<semaphore_mem>>) src(%dma_wait3A_1020 : memref<200x64xf32, #tpu.memory_space<vmem>>) dst(%dma_wait3A_1016 : memref<200x64xf32, #tpu.memory_space<hbm>>)
      %dma_start3A_1021 = arith.constant 3 : i32
      %dma_start3A_1022 = arith.constant 3 : i32
      %dma_start3A_1023 = arith.constant 0 : i32
      %dma_start3A_1024 = arith.constant 0 : i32
      %dma_start3A_1025 = tpu.memref_slice %arg6[%dma_start3A_1021, %dma_start3A_1023, %dma_start3A_1024] : memref<4x200x64xf32, #tpu.memory_space<vmem>> -> memref<1x104x64xf32, #tpu.memory_space<vmem>>
      %dma_start3A_1026 = tpu.memref_squeeze %dma_start3A_1025 : memref<1x104x64xf32, #tpu.memory_space<vmem>> -> memref<104x64xf32, #tpu.memory_space<vmem>>
      %dma_start3A_1027 = arith.constant 0 : i32
      %dma_start3A_1028 = tpu.memref_slice %arg5[%add3A_997, %dma_start3A_1027] : memref<128x256xi32, #tpu.memory_space<vmem>> -> memref<1x104xi32, #tpu.memory_space<vmem>>
      %dma_start3A_1029 = tpu.memref_squeeze %dma_start3A_1028 : memref<1x104xi32, #tpu.memory_space<vmem>> -> memref<104xi32, #tpu.memory_space<vmem>>
      %dma_start3A_1030 = arith.constant 0 : i32
      %dma_start3A_1031 = arith.constant 0 : i32
      %dma_start3A_1032 = tpu.memref_slice %arg3[%dma_start3A_1030, %dma_start3A_1031] : memref<1000000x64xf32, #tpu.memory_space<hbm>> -> memref<1000000x64xf32, #tpu.memory_space<hbm>>
      %dma_start3A_1033 = tpu.memref_slice %arg7[%dma_start3A_1022] : memref<4x!tpu.dma_semaphore, #tpu.memory_space<semaphore_mem>> -> memref<1x!tpu.dma_semaphore, #tpu.memory_space<semaphore_mem>>
      %dma_start3A_1034 = tpu.memref_squeeze %dma_start3A_1033 : memref<1x!tpu.dma_semaphore, #tpu.memory_space<semaphore_mem>> -> memref<!tpu.dma_semaphore, #tpu.memory_space<semaphore_mem>>
      tpu.enqueue_indirect_dma source(%dma_start3A_1032 : memref<1000000x64xf32, #tpu.memory_space<hbm>>) target(%dma_start3A_1026 : memref<104x64xf32, #tpu.memory_space<vmem>>) offsets(%dma_start3A_1029 : memref<104xi32, #tpu.memory_space<vmem>>) semaphore(%dma_start3A_1034 : memref<!tpu.dma_semaphore, #tpu.memory_space<semaphore_mem>>)
      %dma_start3A_1035 = arith.constant 3 : i32
      %dma_start3A_1036 = arith.constant 3 : i32
      %dma_start3A_1037 = arith.constant 104 : i32
      %dma_start3A_1038 = arith.constant 0 : i32
      %dma_start3A_1039 = tpu.memref_slice %arg6[%dma_start3A_1035, %dma_start3A_1037, %dma_start3A_1038] : memref<4x200x64xf32, #tpu.memory_space<vmem>> -> memref<1x96x64xf32, #tpu.memory_space<vmem>>
      %dma_start3A_1040 = tpu.memref_squeeze %dma_start3A_1039 : memref<1x96x64xf32, #tpu.memory_space<vmem>> -> memref<96x64xf32, #tpu.memory_space<vmem>>
      %dma_start3A_1041 = arith.constant 104 : i32
      %dma_start3A_1042 = tpu.memref_slice %arg5[%add3A_997, %dma_start3A_1041] : memref<128x256xi32, #tpu.memory_space<vmem>> -> memref<1x96xi32, #tpu.memory_space<vmem>>
      %dma_start3A_1043 = tpu.memref_squeeze %dma_start3A_1042 : memref<1x96xi32, #tpu.memory_space<vmem>> -> memref<96xi32, #tpu.memory_space<vmem>>
      %dma_start3A_1044 = arith.constant 0 : i32
      %dma_start3A_1045 = arith.constant 0 : i32
      %dma_start3A_1046 = tpu.memref_slice %arg3[%dma_start3A_1044, %dma_start3A_1045] : memref<1000000x64xf32, #tpu.memory_space<hbm>> -> memref<1000000x64xf32, #tpu.memory_space<hbm>>
      %dma_start3A_1047 = tpu.memref_slice %arg7[%dma_start3A_1036] : memref<4x!tpu.dma_semaphore, #tpu.memory_space<semaphore_mem>> -> memref<1x!tpu.dma_semaphore, #tpu.memory_space<semaphore_mem>>
      %dma_start3A_1048 = tpu.memref_squeeze %dma_start3A_1047 : memref<1x!tpu.dma_semaphore, #tpu.memory_space<semaphore_mem>> -> memref<!tpu.dma_semaphore, #tpu.memory_space<semaphore_mem>>
      tpu.enqueue_indirect_dma source(%dma_start3A_1046 : memref<1000000x64xf32, #tpu.memory_space<hbm>>) target(%dma_start3A_1040 : memref<96x64xf32, #tpu.memory_space<vmem>>) offsets(%dma_start3A_1043 : memref<96xi32, #tpu.memory_space<vmem>>) semaphore(%dma_start3A_1048 : memref<!tpu.dma_semaphore, #tpu.memory_space<semaphore_mem>>)
      %add3A_1049 = arith.constant 2 : i32
      %add3A_1050 = arith.addi %add3A_841, %add3A_1049 : i32
      %dma_wait3A_1051 = arith.constant 2 : i32
      %dma_wait3A_1052 = arith.constant 2 : i32
      %dma_wait3A_1053 = arith.constant 0 : i32
      %dma_wait3A_1054 = arith.constant 0 : i32
      %dma_wait3A_1055 = tpu.memref_slice %arg6[%dma_wait3A_1051, %dma_wait3A_1053, %dma_wait3A_1054] : memref<4x200x64xf32, #tpu.memory_space<vmem>> -> memref<1x104x64xf32, #tpu.memory_space<vmem>>
      %dma_wait3A_1056 = tpu.memref_squeeze %dma_wait3A_1055 : memref<1x104x64xf32, #tpu.memory_space<vmem>> -> memref<104x64xf32, #tpu.memory_space<vmem>>
      %dma_wait3A_1057 = arith.constant 0 : i32
      %dma_wait3A_1058 = tpu.memref_slice %arg5[%add3A_1050, %dma_wait3A_1057] : memref<128x256xi32, #tpu.memory_space<vmem>> -> memref<1x104xi32, #tpu.memory_space<vmem>>
      %dma_wait3A_1059 = tpu.memref_squeeze %dma_wait3A_1058 : memref<1x104xi32, #tpu.memory_space<vmem>> -> memref<104xi32, #tpu.memory_space<vmem>>
      %dma_wait3A_1060 = arith.constant 0 : i32
      %dma_wait3A_1061 = arith.constant 0 : i32
      %dma_wait3A_1062 = tpu.memref_slice %arg3[%dma_wait3A_1060, %dma_wait3A_1061] : memref<1000000x64xf32, #tpu.memory_space<hbm>> -> memref<1000000x64xf32, #tpu.memory_space<hbm>>
      %dma_wait3A_1063 = tpu.memref_slice %arg7[%dma_wait3A_1052] : memref<4x!tpu.dma_semaphore, #tpu.memory_space<semaphore_mem>> -> memref<1x!tpu.dma_semaphore, #tpu.memory_space<semaphore_mem>>
      %dma_wait3A_1064 = tpu.memref_squeeze %dma_wait3A_1063 : memref<1x!tpu.dma_semaphore, #tpu.memory_space<semaphore_mem>> -> memref<!tpu.dma_semaphore, #tpu.memory_space<semaphore_mem>>
      tpu.wait_indirect_dma semaphore(%dma_wait3A_1064 : memref<!tpu.dma_semaphore, #tpu.memory_space<semaphore_mem>>) src(%dma_wait3A_1062 : memref<1000000x64xf32, #tpu.memory_space<hbm>>) dst(%dma_wait3A_1056 : memref<104x64xf32, #tpu.memory_space<vmem>>)
      %dma_wait3A_1065 = arith.constant 2 : i32
      %dma_wait3A_1066 = arith.constant 2 : i32
      %dma_wait3A_1067 = arith.constant 104 : i32
      %dma_wait3A_1068 = arith.constant 0 : i32
      %dma_wait3A_1069 = tpu.memref_slice %arg6[%dma_wait3A_1065, %dma_wait3A_1067, %dma_wait3A_1068] : memref<4x200x64xf32, #tpu.memory_space<vmem>> -> memref<1x96x64xf32, #tpu.memory_space<vmem>>
      %dma_wait3A_1070 = tpu.memref_squeeze %dma_wait3A_1069 : memref<1x96x64xf32, #tpu.memory_space<vmem>> -> memref<96x64xf32, #tpu.memory_space<vmem>>
      %dma_wait3A_1071 = arith.constant 104 : i32
      %dma_wait3A_1072 = tpu.memref_slice %arg5[%add3A_1050, %dma_wait3A_1071] : memref<128x256xi32, #tpu.memory_space<vmem>> -> memref<1x96xi32, #tpu.memory_space<vmem>>
      %dma_wait3A_1073 = tpu.memref_squeeze %dma_wait3A_1072 : memref<1x96xi32, #tpu.memory_space<vmem>> -> memref<96xi32, #tpu.memory_space<vmem>>
      %dma_wait3A_1074 = arith.constant 0 : i32
      %dma_wait3A_1075 = arith.constant 0 : i32
      %dma_wait3A_1076 = tpu.memref_slice %arg3[%dma_wait3A_1074, %dma_wait3A_1075] : memref<1000000x64xf32, #tpu.memory_space<hbm>> -> memref<1000000x64xf32, #tpu.memory_space<hbm>>
      %dma_wait3A_1077 = tpu.memref_slice %arg7[%dma_wait3A_1066] : memref<4x!tpu.dma_semaphore, #tpu.memory_space<semaphore_mem>> -> memref<1x!tpu.dma_semaphore, #tpu.memory_space<semaphore_mem>>
      %dma_wait3A_1078 = tpu.memref_squeeze %dma_wait3A_1077 : memref<1x!tpu.dma_semaphore, #tpu.memory_space<semaphore_mem>> -> memref<!tpu.dma_semaphore, #tpu.memory_space<semaphore_mem>>
      tpu.wait_indirect_dma semaphore(%dma_wait3A_1078 : memref<!tpu.dma_semaphore, #tpu.memory_space<semaphore_mem>>) src(%dma_wait3A_1076 : memref<1000000x64xf32, #tpu.memory_space<hbm>>) dst(%dma_wait3A_1070 : memref<96x64xf32, #tpu.memory_space<vmem>>)
      %add3A_1079 = arith.addi %mul3A_2, %add3A_1050 : i32
      %dma_start3A_1080 = arith.constant 2 : i32
      %dma_start3A_1081 = arith.constant 2 : i32
      %dma_start3A_1082 = arith.constant 0 : i32
      %dma_start3A_1083 = arith.constant 0 : i32
      %dma_start3A_1084 = tpu.memref_slice %arg6[%dma_start3A_1080, %dma_start3A_1082, %dma_start3A_1083] : memref<4x200x64xf32, #tpu.memory_space<vmem>> -> memref<1x200x64xf32, #tpu.memory_space<vmem>>
      %dma_start3A_1085 = tpu.memref_squeeze %dma_start3A_1084 : memref<1x200x64xf32, #tpu.memory_space<vmem>> -> memref<200x64xf32, #tpu.memory_space<vmem>>
      %dma_start3A_1086 = arith.constant 0 : i32
      %dma_start3A_1087 = arith.constant 0 : i32
      %dma_start3A_1088 = tpu.memref_slice %arg4[%add3A_1079, %dma_start3A_1086, %dma_start3A_1087] : memref<4096x200x64xf32, #tpu.memory_space<hbm>> -> memref<1x200x64xf32, #tpu.memory_space<hbm>>
      %dma_start3A_1089 = tpu.memref_squeeze %dma_start3A_1088 : memref<1x200x64xf32, #tpu.memory_space<hbm>> -> memref<200x64xf32, #tpu.memory_space<hbm>>
      %dma_start3A_1090 = tpu.memref_slice %arg8[%dma_start3A_1081] : memref<4x!tpu.dma_semaphore, #tpu.memory_space<semaphore_mem>> -> memref<1x!tpu.dma_semaphore, #tpu.memory_space<semaphore_mem>>
      %dma_start3A_1091 = tpu.memref_squeeze %dma_start3A_1090 : memref<1x!tpu.dma_semaphore, #tpu.memory_space<semaphore_mem>> -> memref<!tpu.dma_semaphore, #tpu.memory_space<semaphore_mem>>
      %dma_start3A_1092 = arith.constant 0 : i32
      %dma_start3A_1093 = arith.constant 0 : i32
      %dma_start3A_1094 = tpu.memref_slice %arg4[%add3A_1079, %dma_start3A_1092, %dma_start3A_1093] : memref<4096x200x64xf32, #tpu.memory_space<hbm>> -> memref<1x200x64xf32, #tpu.memory_space<hbm>>
      %dma_start3A_1095 = tpu.memref_squeeze %dma_start3A_1094 : memref<1x200x64xf32, #tpu.memory_space<hbm>> -> memref<200x64xf32, #tpu.memory_space<hbm>>
      %dma_start3A_1096 = arith.constant 0 : i32
      %dma_start3A_1097 = arith.constant 0 : i32
      %dma_start3A_1098 = tpu.memref_slice %arg6[%dma_start3A_1080, %dma_start3A_1096, %dma_start3A_1097] : memref<4x200x64xf32, #tpu.memory_space<vmem>> -> memref<1x200x64xf32, #tpu.memory_space<vmem>>
      %dma_start3A_1099 = tpu.memref_squeeze %dma_start3A_1098 : memref<1x200x64xf32, #tpu.memory_space<vmem>> -> memref<200x64xf32, #tpu.memory_space<vmem>>
      tpu.enqueue_dma source(%dma_start3A_1099 : memref<200x64xf32, #tpu.memory_space<vmem>>) target(%dma_start3A_1095 : memref<200x64xf32, #tpu.memory_space<hbm>>) target_semaphore(%dma_start3A_1091 : memref<!tpu.dma_semaphore, #tpu.memory_space<semaphore_mem>>)
      %add3A_1100 = arith.constant 2 : i32
      %add3A_1101 = arith.addi %add3A_1050, %add3A_1100 : i32
      %sub3A_1102 = arith.constant 4 : i32
      %sub3A_1103 = arith.subi %add3A_1101, %sub3A_1102 : i32
      %add3A_1104 = arith.addi %mul3A_2, %sub3A_1103 : i32
      %dma_wait3A_1105 = arith.constant 0 : i32
      %dma_wait3A_1106 = arith.constant 0 : i32
      %dma_wait3A_1107 = arith.constant 0 : i32
      %dma_wait3A_1108 = arith.constant 0 : i32
      %dma_wait3A_1109 = tpu.memref_slice %arg6[%dma_wait3A_1105, %dma_wait3A_1107, %dma_wait3A_1108] : memref<4x200x64xf32, #tpu.memory_space<vmem>> -> memref<1x200x64xf32, #tpu.memory_space<vmem>>
      %dma_wait3A_1110 = tpu.memref_squeeze %dma_wait3A_1109 : memref<1x200x64xf32, #tpu.memory_space<vmem>> -> memref<200x64xf32, #tpu.memory_space<vmem>>
      %dma_wait3A_1111 = arith.constant 0 : i32
      %dma_wait3A_1112 = arith.constant 0 : i32
      %dma_wait3A_1113 = tpu.memref_slice %arg4[%add3A_1104, %dma_wait3A_1111, %dma_wait3A_1112] : memref<4096x200x64xf32, #tpu.memory_space<hbm>> -> memref<1x200x64xf32, #tpu.memory_space<hbm>>
      %dma_wait3A_1114 = tpu.memref_squeeze %dma_wait3A_1113 : memref<1x200x64xf32, #tpu.memory_space<hbm>> -> memref<200x64xf32, #tpu.memory_space<hbm>>
      %dma_wait3A_1115 = tpu.memref_slice %arg8[%dma_wait3A_1106] : memref<4x!tpu.dma_semaphore, #tpu.memory_space<semaphore_mem>> -> memref<1x!tpu.dma_semaphore, #tpu.memory_space<semaphore_mem>>
      %dma_wait3A_1116 = tpu.memref_squeeze %dma_wait3A_1115 : memref<1x!tpu.dma_semaphore, #tpu.memory_space<semaphore_mem>> -> memref<!tpu.dma_semaphore, #tpu.memory_space<semaphore_mem>>
      %dma_wait3A_1117 = arith.constant 0 : i32
      %dma_wait3A_1118 = arith.constant 0 : i32
      %dma_wait3A_1119 = tpu.memref_slice %arg4[%add3A_1104, %dma_wait3A_1117, %dma_wait3A_1118] : memref<4096x200x64xf32, #tpu.memory_space<hbm>> -> memref<1x200x64xf32, #tpu.memory_space<hbm>>
      %dma_wait3A_1120 = tpu.memref_squeeze %dma_wait3A_1119 : memref<1x200x64xf32, #tpu.memory_space<hbm>> -> memref<200x64xf32, #tpu.memory_space<hbm>>
      %dma_wait3A_1121 = arith.constant 0 : i32
      %dma_wait3A_1122 = arith.constant 0 : i32
      %dma_wait3A_1123 = tpu.memref_slice %arg6[%dma_wait3A_1105, %dma_wait3A_1121, %dma_wait3A_1122] : memref<4x200x64xf32, #tpu.memory_space<vmem>> -> memref<1x200x64xf32, #tpu.memory_space<vmem>>
      %dma_wait3A_1124 = tpu.memref_squeeze %dma_wait3A_1123 : memref<1x200x64xf32, #tpu.memory_space<vmem>> -> memref<200x64xf32, #tpu.memory_space<vmem>>
      tpu.wait_dma2 semaphore(%dma_wait3A_1116 : memref<!tpu.dma_semaphore, #tpu.memory_space<semaphore_mem>>) src(%dma_wait3A_1124 : memref<200x64xf32, #tpu.memory_space<vmem>>) dst(%dma_wait3A_1120 : memref<200x64xf32, #tpu.memory_space<hbm>>)
      %dma_start3A_1125 = arith.constant 0 : i32
      %dma_start3A_1126 = arith.constant 0 : i32
      %dma_start3A_1127 = arith.constant 0 : i32
      %dma_start3A_1128 = arith.constant 0 : i32
      %dma_start3A_1129 = tpu.memref_slice %arg6[%dma_start3A_1125, %dma_start3A_1127, %dma_start3A_1128] : memref<4x200x64xf32, #tpu.memory_space<vmem>> -> memref<1x104x64xf32, #tpu.memory_space<vmem>>
      %dma_start3A_1130 = tpu.memref_squeeze %dma_start3A_1129 : memref<1x104x64xf32, #tpu.memory_space<vmem>> -> memref<104x64xf32, #tpu.memory_space<vmem>>
      %dma_start3A_1131 = arith.constant 0 : i32
      %dma_start3A_1132 = tpu.memref_slice %arg5[%add3A_1101, %dma_start3A_1131] : memref<128x256xi32, #tpu.memory_space<vmem>> -> memref<1x104xi32, #tpu.memory_space<vmem>>
      %dma_start3A_1133 = tpu.memref_squeeze %dma_start3A_1132 : memref<1x104xi32, #tpu.memory_space<vmem>> -> memref<104xi32, #tpu.memory_space<vmem>>
      %dma_start3A_1134 = arith.constant 0 : i32
      %dma_start3A_1135 = arith.constant 0 : i32
      %dma_start3A_1136 = tpu.memref_slice %arg3[%dma_start3A_1134, %dma_start3A_1135] : memref<1000000x64xf32, #tpu.memory_space<hbm>> -> memref<1000000x64xf32, #tpu.memory_space<hbm>>
      %dma_start3A_1137 = tpu.memref_slice %arg7[%dma_start3A_1126] : memref<4x!tpu.dma_semaphore, #tpu.memory_space<semaphore_mem>> -> memref<1x!tpu.dma_semaphore, #tpu.memory_space<semaphore_mem>>
      %dma_start3A_1138 = tpu.memref_squeeze %dma_start3A_1137 : memref<1x!tpu.dma_semaphore, #tpu.memory_space<semaphore_mem>> -> memref<!tpu.dma_semaphore, #tpu.memory_space<semaphore_mem>>
      tpu.enqueue_indirect_dma source(%dma_start3A_1136 : memref<1000000x64xf32, #tpu.memory_space<hbm>>) target(%dma_start3A_1130 : memref<104x64xf32, #tpu.memory_space<vmem>>) offsets(%dma_start3A_1133 : memref<104xi32, #tpu.memory_space<vmem>>) semaphore(%dma_start3A_1138 : memref<!tpu.dma_semaphore, #tpu.memory_space<semaphore_mem>>)
      %dma_start3A_1139 = arith.constant 0 : i32
      %dma_start3A_1140 = arith.constant 0 : i32
      %dma_start3A_1141 = arith.constant 104 : i32
      %dma_start3A_1142 = arith.constant 0 : i32
      %dma_start3A_1143 = tpu.memref_slice %arg6[%dma_start3A_1139, %dma_start3A_1141, %dma_start3A_1142] : memref<4x200x64xf32, #tpu.memory_space<vmem>> -> memref<1x96x64xf32, #tpu.memory_space<vmem>>
      %dma_start3A_1144 = tpu.memref_squeeze %dma_start3A_1143 : memref<1x96x64xf32, #tpu.memory_space<vmem>> -> memref<96x64xf32, #tpu.memory_space<vmem>>
      %dma_start3A_1145 = arith.constant 104 : i32
      %dma_start3A_1146 = tpu.memref_slice %arg5[%add3A_1101, %dma_start3A_1145] : memref<128x256xi32, #tpu.memory_space<vmem>> -> memref<1x96xi32, #tpu.memory_space<vmem>>
      %dma_start3A_1147 = tpu.memref_squeeze %dma_start3A_1146 : memref<1x96xi32, #tpu.memory_space<vmem>> -> memref<96xi32, #tpu.memory_space<vmem>>
      %dma_start3A_1148 = arith.constant 0 : i32
      %dma_start3A_1149 = arith.constant 0 : i32
      %dma_start3A_1150 = tpu.memref_slice %arg3[%dma_start3A_1148, %dma_start3A_1149] : memref<1000000x64xf32, #tpu.memory_space<hbm>> -> memref<1000000x64xf32, #tpu.memory_space<hbm>>
      %dma_start3A_1151 = tpu.memref_slice %arg7[%dma_start3A_1140] : memref<4x!tpu.dma_semaphore, #tpu.memory_space<semaphore_mem>> -> memref<1x!tpu.dma_semaphore, #tpu.memory_space<semaphore_mem>>
      %dma_start3A_1152 = tpu.memref_squeeze %dma_start3A_1151 : memref<1x!tpu.dma_semaphore, #tpu.memory_space<semaphore_mem>> -> memref<!tpu.dma_semaphore, #tpu.memory_space<semaphore_mem>>
      tpu.enqueue_indirect_dma source(%dma_start3A_1150 : memref<1000000x64xf32, #tpu.memory_space<hbm>>) target(%dma_start3A_1144 : memref<96x64xf32, #tpu.memory_space<vmem>>) offsets(%dma_start3A_1147 : memref<96xi32, #tpu.memory_space<vmem>>) semaphore(%dma_start3A_1152 : memref<!tpu.dma_semaphore, #tpu.memory_space<semaphore_mem>>)
      %add3A_1153 = arith.constant 3 : i32
      %add3A_1154 = arith.addi %add3A_841, %add3A_1153 : i32
      %dma_wait3A_1155 = arith.constant 3 : i32
      %dma_wait3A_1156 = arith.constant 3 : i32
      %dma_wait3A_1157 = arith.constant 0 : i32
      %dma_wait3A_1158 = arith.constant 0 : i32
      %dma_wait3A_1159 = tpu.memref_slice %arg6[%dma_wait3A_1155, %dma_wait3A_1157, %dma_wait3A_1158] : memref<4x200x64xf32, #tpu.memory_space<vmem>> -> memref<1x104x64xf32, #tpu.memory_space<vmem>>
      %dma_wait3A_1160 = tpu.memref_squeeze %dma_wait3A_1159 : memref<1x104x64xf32, #tpu.memory_space<vmem>> -> memref<104x64xf32, #tpu.memory_space<vmem>>
      %dma_wait3A_1161 = arith.constant 0 : i32
      %dma_wait3A_1162 = tpu.memref_slice %arg5[%add3A_1154, %dma_wait3A_1161] : memref<128x256xi32, #tpu.memory_space<vmem>> -> memref<1x104xi32, #tpu.memory_space<vmem>>
      %dma_wait3A_1163 = tpu.memref_squeeze %dma_wait3A_1162 : memref<1x104xi32, #tpu.memory_space<vmem>> -> memref<104xi32, #tpu.memory_space<vmem>>
      %dma_wait3A_1164 = arith.constant 0 : i32
      %dma_wait3A_1165 = arith.constant 0 : i32
      %dma_wait3A_1166 = tpu.memref_slice %arg3[%dma_wait3A_1164, %dma_wait3A_1165] : memref<1000000x64xf32, #tpu.memory_space<hbm>> -> memref<1000000x64xf32, #tpu.memory_space<hbm>>
      %dma_wait3A_1167 = tpu.memref_slice %arg7[%dma_wait3A_1156] : memref<4x!tpu.dma_semaphore, #tpu.memory_space<semaphore_mem>> -> memref<1x!tpu.dma_semaphore, #tpu.memory_space<semaphore_mem>>
      %dma_wait3A_1168 = tpu.memref_squeeze %dma_wait3A_1167 : memref<1x!tpu.dma_semaphore, #tpu.memory_space<semaphore_mem>> -> memref<!tpu.dma_semaphore, #tpu.memory_space<semaphore_mem>>
      tpu.wait_indirect_dma semaphore(%dma_wait3A_1168 : memref<!tpu.dma_semaphore, #tpu.memory_space<semaphore_mem>>) src(%dma_wait3A_1166 : memref<1000000x64xf32, #tpu.memory_space<hbm>>) dst(%dma_wait3A_1160 : memref<104x64xf32, #tpu.memory_space<vmem>>)
      %dma_wait3A_1169 = arith.constant 3 : i32
      %dma_wait3A_1170 = arith.constant 3 : i32
      %dma_wait3A_1171 = arith.constant 104 : i32
      %dma_wait3A_1172 = arith.constant 0 : i32
      %dma_wait3A_1173 = tpu.memref_slice %arg6[%dma_wait3A_1169, %dma_wait3A_1171, %dma_wait3A_1172] : memref<4x200x64xf32, #tpu.memory_space<vmem>> -> memref<1x96x64xf32, #tpu.memory_space<vmem>>
      %dma_wait3A_1174 = tpu.memref_squeeze %dma_wait3A_1173 : memref<1x96x64xf32, #tpu.memory_space<vmem>> -> memref<96x64xf32, #tpu.memory_space<vmem>>
      %dma_wait3A_1175 = arith.constant 104 : i32
      %dma_wait3A_1176 = tpu.memref_slice %arg5[%add3A_1154, %dma_wait3A_1175] : memref<128x256xi32, #tpu.memory_space<vmem>> -> memref<1x96xi32, #tpu.memory_space<vmem>>
      %dma_wait3A_1177 = tpu.memref_squeeze %dma_wait3A_1176 : memref<1x96xi32, #tpu.memory_space<vmem>> -> memref<96xi32, #tpu.memory_space<vmem>>
      %dma_wait3A_1178 = arith.constant 0 : i32
      %dma_wait3A_1179 = arith.constant 0 : i32
      %dma_wait3A_1180 = tpu.memref_slice %arg3[%dma_wait3A_1178, %dma_wait3A_1179] : memref<1000000x64xf32, #tpu.memory_space<hbm>> -> memref<1000000x64xf32, #tpu.memory_space<hbm>>
      %dma_wait3A_1181 = tpu.memref_slice %arg7[%dma_wait3A_1170] : memref<4x!tpu.dma_semaphore, #tpu.memory_space<semaphore_mem>> -> memref<1x!tpu.dma_semaphore, #tpu.memory_space<semaphore_mem>>
      %dma_wait3A_1182 = tpu.memref_squeeze %dma_wait3A_1181 : memref<1x!tpu.dma_semaphore, #tpu.memory_space<semaphore_mem>> -> memref<!tpu.dma_semaphore, #tpu.memory_space<semaphore_mem>>
      tpu.wait_indirect_dma semaphore(%dma_wait3A_1182 : memref<!tpu.dma_semaphore, #tpu.memory_space<semaphore_mem>>) src(%dma_wait3A_1180 : memref<1000000x64xf32, #tpu.memory_space<hbm>>) dst(%dma_wait3A_1174 : memref<96x64xf32, #tpu.memory_space<vmem>>)
      %add3A_1183 = arith.addi %mul3A_2, %add3A_1154 : i32
      %dma_start3A_1184 = arith.constant 3 : i32
      %dma_start3A_1185 = arith.constant 3 : i32
      %dma_start3A_1186 = arith.constant 0 : i32
      %dma_start3A_1187 = arith.constant 0 : i32
      %dma_start3A_1188 = tpu.memref_slice %arg6[%dma_start3A_1184, %dma_start3A_1186, %dma_start3A_1187] : memref<4x200x64xf32, #tpu.memory_space<vmem>> -> memref<1x200x64xf32, #tpu.memory_space<vmem>>
      %dma_start3A_1189 = tpu.memref_squeeze %dma_start3A_1188 : memref<1x200x64xf32, #tpu.memory_space<vmem>> -> memref<200x64xf32, #tpu.memory_space<vmem>>
      %dma_start3A_1190 = arith.constant 0 : i32
      %dma_start3A_1191 = arith.constant 0 : i32
      %dma_start3A_1192 = tpu.memref_slice %arg4[%add3A_1183, %dma_start3A_1190, %dma_start3A_1191] : memref<4096x200x64xf32, #tpu.memory_space<hbm>> -> memref<1x200x64xf32, #tpu.memory_space<hbm>>
      %dma_start3A_1193 = tpu.memref_squeeze %dma_start3A_1192 : memref<1x200x64xf32, #tpu.memory_space<hbm>> -> memref<200x64xf32, #tpu.memory_space<hbm>>
      %dma_start3A_1194 = tpu.memref_slice %arg8[%dma_start3A_1185] : memref<4x!tpu.dma_semaphore, #tpu.memory_space<semaphore_mem>> -> memref<1x!tpu.dma_semaphore, #tpu.memory_space<semaphore_mem>>
      %dma_start3A_1195 = tpu.memref_squeeze %dma_start3A_1194 : memref<1x!tpu.dma_semaphore, #tpu.memory_space<semaphore_mem>> -> memref<!tpu.dma_semaphore, #tpu.memory_space<semaphore_mem>>
      %dma_start3A_1196 = arith.constant 0 : i32
      %dma_start3A_1197 = arith.constant 0 : i32
      %dma_start3A_1198 = tpu.memref_slice %arg4[%add3A_1183, %dma_start3A_1196, %dma_start3A_1197] : memref<4096x200x64xf32, #tpu.memory_space<hbm>> -> memref<1x200x64xf32, #tpu.memory_space<hbm>>
      %dma_start3A_1199 = tpu.memref_squeeze %dma_start3A_1198 : memref<1x200x64xf32, #tpu.memory_space<hbm>> -> memref<200x64xf32, #tpu.memory_space<hbm>>
      %dma_start3A_1200 = arith.constant 0 : i32
      %dma_start3A_1201 = arith.constant 0 : i32
      %dma_start3A_1202 = tpu.memref_slice %arg6[%dma_start3A_1184, %dma_start3A_1200, %dma_start3A_1201] : memref<4x200x64xf32, #tpu.memory_space<vmem>> -> memref<1x200x64xf32, #tpu.memory_space<vmem>>
      %dma_start3A_1203 = tpu.memref_squeeze %dma_start3A_1202 : memref<1x200x64xf32, #tpu.memory_space<vmem>> -> memref<200x64xf32, #tpu.memory_space<vmem>>
      tpu.enqueue_dma source(%dma_start3A_1203 : memref<200x64xf32, #tpu.memory_space<vmem>>) target(%dma_start3A_1199 : memref<200x64xf32, #tpu.memory_space<hbm>>) target_semaphore(%dma_start3A_1195 : memref<!tpu.dma_semaphore, #tpu.memory_space<semaphore_mem>>)
      %add3A_1204 = arith.constant 2 : i32
      %add3A_1205 = arith.addi %add3A_1154, %add3A_1204 : i32
      %sub3A_1206 = arith.constant 4 : i32
      %sub3A_1207 = arith.subi %add3A_1205, %sub3A_1206 : i32
      %add3A_1208 = arith.addi %mul3A_2, %sub3A_1207 : i32
      %dma_wait3A_1209 = arith.constant 1 : i32
      %dma_wait3A_1210 = arith.constant 1 : i32
      %dma_wait3A_1211 = arith.constant 0 : i32
      %dma_wait3A_1212 = arith.constant 0 : i32
      %dma_wait3A_1213 = tpu.memref_slice %arg6[%dma_wait3A_1209, %dma_wait3A_1211, %dma_wait3A_1212] : memref<4x200x64xf32, #tpu.memory_space<vmem>> -> memref<1x200x64xf32, #tpu.memory_space<vmem>>
      %dma_wait3A_1214 = tpu.memref_squeeze %dma_wait3A_1213 : memref<1x200x64xf32, #tpu.memory_space<vmem>> -> memref<200x64xf32, #tpu.memory_space<vmem>>
      %dma_wait3A_1215 = arith.constant 0 : i32
      %dma_wait3A_1216 = arith.constant 0 : i32
      %dma_wait3A_1217 = tpu.memref_slice %arg4[%add3A_1208, %dma_wait3A_1215, %dma_wait3A_1216] : memref<4096x200x64xf32, #tpu.memory_space<hbm>> -> memref<1x200x64xf32, #tpu.memory_space<hbm>>
      %dma_wait3A_1218 = tpu.memref_squeeze %dma_wait3A_1217 : memref<1x200x64xf32, #tpu.memory_space<hbm>> -> memref<200x64xf32, #tpu.memory_space<hbm>>
      %dma_wait3A_1219 = tpu.memref_slice %arg8[%dma_wait3A_1210] : memref<4x!tpu.dma_semaphore, #tpu.memory_space<semaphore_mem>> -> memref<1x!tpu.dma_semaphore, #tpu.memory_space<semaphore_mem>>
      %dma_wait3A_1220 = tpu.memref_squeeze %dma_wait3A_1219 : memref<1x!tpu.dma_semaphore, #tpu.memory_space<semaphore_mem>> -> memref<!tpu.dma_semaphore, #tpu.memory_space<semaphore_mem>>
      %dma_wait3A_1221 = arith.constant 0 : i32
      %dma_wait3A_1222 = arith.constant 0 : i32
      %dma_wait3A_1223 = tpu.memref_slice %arg4[%add3A_1208, %dma_wait3A_1221, %dma_wait3A_1222] : memref<4096x200x64xf32, #tpu.memory_space<hbm>> -> memref<1x200x64xf32, #tpu.memory_space<hbm>>
      %dma_wait3A_1224 = tpu.memref_squeeze %dma_wait3A_1223 : memref<1x200x64xf32, #tpu.memory_space<hbm>> -> memref<200x64xf32, #tpu.memory_space<hbm>>
      %dma_wait3A_1225 = arith.constant 0 : i32
      %dma_wait3A_1226 = arith.constant 0 : i32
      %dma_wait3A_1227 = tpu.memref_slice %arg6[%dma_wait3A_1209, %dma_wait3A_1225, %dma_wait3A_1226] : memref<4x200x64xf32, #tpu.memory_space<vmem>> -> memref<1x200x64xf32, #tpu.memory_space<vmem>>
      %dma_wait3A_1228 = tpu.memref_squeeze %dma_wait3A_1227 : memref<1x200x64xf32, #tpu.memory_space<vmem>> -> memref<200x64xf32, #tpu.memory_space<vmem>>
      tpu.wait_dma2 semaphore(%dma_wait3A_1220 : memref<!tpu.dma_semaphore, #tpu.memory_space<semaphore_mem>>) src(%dma_wait3A_1228 : memref<200x64xf32, #tpu.memory_space<vmem>>) dst(%dma_wait3A_1224 : memref<200x64xf32, #tpu.memory_space<hbm>>)
      %dma_start3A_1229 = arith.constant 1 : i32
      %dma_start3A_1230 = arith.constant 1 : i32
      %dma_start3A_1231 = arith.constant 0 : i32
      %dma_start3A_1232 = arith.constant 0 : i32
      %dma_start3A_1233 = tpu.memref_slice %arg6[%dma_start3A_1229, %dma_start3A_1231, %dma_start3A_1232] : memref<4x200x64xf32, #tpu.memory_space<vmem>> -> memref<1x104x64xf32, #tpu.memory_space<vmem>>
      %dma_start3A_1234 = tpu.memref_squeeze %dma_start3A_1233 : memref<1x104x64xf32, #tpu.memory_space<vmem>> -> memref<104x64xf32, #tpu.memory_space<vmem>>
      %dma_start3A_1235 = arith.constant 0 : i32
      %dma_start3A_1236 = tpu.memref_slice %arg5[%add3A_1205, %dma_start3A_1235] : memref<128x256xi32, #tpu.memory_space<vmem>> -> memref<1x104xi32, #tpu.memory_space<vmem>>
      %dma_start3A_1237 = tpu.memref_squeeze %dma_start3A_1236 : memref<1x104xi32, #tpu.memory_space<vmem>> -> memref<104xi32, #tpu.memory_space<vmem>>
      %dma_start3A_1238 = arith.constant 0 : i32
      %dma_start3A_1239 = arith.constant 0 : i32
      %dma_start3A_1240 = tpu.memref_slice %arg3[%dma_start3A_1238, %dma_start3A_1239] : memref<1000000x64xf32, #tpu.memory_space<hbm>> -> memref<1000000x64xf32, #tpu.memory_space<hbm>>
      %dma_start3A_1241 = tpu.memref_slice %arg7[%dma_start3A_1230] : memref<4x!tpu.dma_semaphore, #tpu.memory_space<semaphore_mem>> -> memref<1x!tpu.dma_semaphore, #tpu.memory_space<semaphore_mem>>
      %dma_start3A_1242 = tpu.memref_squeeze %dma_start3A_1241 : memref<1x!tpu.dma_semaphore, #tpu.memory_space<semaphore_mem>> -> memref<!tpu.dma_semaphore, #tpu.memory_space<semaphore_mem>>
      tpu.enqueue_indirect_dma source(%dma_start3A_1240 : memref<1000000x64xf32, #tpu.memory_space<hbm>>) target(%dma_start3A_1234 : memref<104x64xf32, #tpu.memory_space<vmem>>) offsets(%dma_start3A_1237 : memref<104xi32, #tpu.memory_space<vmem>>) semaphore(%dma_start3A_1242 : memref<!tpu.dma_semaphore, #tpu.memory_space<semaphore_mem>>)
      %dma_start3A_1243 = arith.constant 1 : i32
      %dma_start3A_1244 = arith.constant 1 : i32
      %dma_start3A_1245 = arith.constant 104 : i32
      %dma_start3A_1246 = arith.constant 0 : i32
      %dma_start3A_1247 = tpu.memref_slice %arg6[%dma_start3A_1243, %dma_start3A_1245, %dma_start3A_1246] : memref<4x200x64xf32, #tpu.memory_space<vmem>> -> memref<1x96x64xf32, #tpu.memory_space<vmem>>
      %dma_start3A_1248 = tpu.memref_squeeze %dma_start3A_1247 : memref<1x96x64xf32, #tpu.memory_space<vmem>> -> memref<96x64xf32, #tpu.memory_space<vmem>>
      %dma_start3A_1249 = arith.constant 104 : i32
      %dma_start3A_1250 = tpu.memref_slice %arg5[%add3A_1205, %dma_start3A_1249] : memref<128x256xi32, #tpu.memory_space<vmem>> -> memref<1x96xi32, #tpu.memory_space<vmem>>
      %dma_start3A_1251 = tpu.memref_squeeze %dma_start3A_1250 : memref<1x96xi32, #tpu.memory_space<vmem>> -> memref<96xi32, #tpu.memory_space<vmem>>
      %dma_start3A_1252 = arith.constant 0 : i32
      %dma_start3A_1253 = arith.constant 0 : i32
      %dma_start3A_1254 = tpu.memref_slice %arg3[%dma_start3A_1252, %dma_start3A_1253] : memref<1000000x64xf32, #tpu.memory_space<hbm>> -> memref<1000000x64xf32, #tpu.memory_space<hbm>>
      %dma_start3A_1255 = tpu.memref_slice %arg7[%dma_start3A_1244] : memref<4x!tpu.dma_semaphore, #tpu.memory_space<semaphore_mem>> -> memref<1x!tpu.dma_semaphore, #tpu.memory_space<semaphore_mem>>
      %dma_start3A_1256 = tpu.memref_squeeze %dma_start3A_1255 : memref<1x!tpu.dma_semaphore, #tpu.memory_space<semaphore_mem>> -> memref<!tpu.dma_semaphore, #tpu.memory_space<semaphore_mem>>
      tpu.enqueue_indirect_dma source(%dma_start3A_1254 : memref<1000000x64xf32, #tpu.memory_space<hbm>>) target(%dma_start3A_1248 : memref<96x64xf32, #tpu.memory_space<vmem>>) offsets(%dma_start3A_1251 : memref<96xi32, #tpu.memory_space<vmem>>) semaphore(%dma_start3A_1256 : memref<!tpu.dma_semaphore, #tpu.memory_space<semaphore_mem>>)
    }
    %scan3A_436 = arith.constant 30 : i32
    %dma_wait3A_437 = arith.constant 124 : i32
    %dma_wait3A_438 = arith.constant 0 : i32
    %dma_wait3A_439 = arith.constant 0 : i32
    %dma_wait3A_440 = arith.constant 0 : i32
    %dma_wait3A_441 = arith.constant 0 : i32
    %dma_wait3A_442 = tpu.memref_slice %arg6[%dma_wait3A_438, %dma_wait3A_440, %dma_wait3A_441] : memref<4x200x64xf32, #tpu.memory_space<vmem>> -> memref<1x104x64xf32, #tpu.memory_space<vmem>>
    %dma_wait3A_443 = tpu.memref_squeeze %dma_wait3A_442 : memref<1x104x64xf32, #tpu.memory_space<vmem>> -> memref<104x64xf32, #tpu.memory_space<vmem>>
    %dma_wait3A_444 = arith.constant 0 : i32
    %dma_wait3A_445 = tpu.memref_slice %arg5[%dma_wait3A_437, %dma_wait3A_444] : memref<128x256xi32, #tpu.memory_space<vmem>> -> memref<1x104xi32, #tpu.memory_space<vmem>>
    %dma_wait3A_446 = tpu.memref_squeeze %dma_wait3A_445 : memref<1x104xi32, #tpu.memory_space<vmem>> -> memref<104xi32, #tpu.memory_space<vmem>>
    %dma_wait3A_447 = arith.constant 0 : i32
    %dma_wait3A_448 = arith.constant 0 : i32
    %dma_wait3A_449 = tpu.memref_slice %arg3[%dma_wait3A_447, %dma_wait3A_448] : memref<1000000x64xf32, #tpu.memory_space<hbm>> -> memref<1000000x64xf32, #tpu.memory_space<hbm>>
    %dma_wait3A_450 = tpu.memref_slice %arg7[%dma_wait3A_439] : memref<4x!tpu.dma_semaphore, #tpu.memory_space<semaphore_mem>> -> memref<1x!tpu.dma_semaphore, #tpu.memory_space<semaphore_mem>>
    %dma_wait3A_451 = tpu.memref_squeeze %dma_wait3A_450 : memref<1x!tpu.dma_semaphore, #tpu.memory_space<semaphore_mem>> -> memref<!tpu.dma_semaphore, #tpu.memory_space<semaphore_mem>>
    tpu.wait_indirect_dma semaphore(%dma_wait3A_451 : memref<!tpu.dma_semaphore, #tpu.memory_space<semaphore_mem>>) src(%dma_wait3A_449 : memref<1000000x64xf32, #tpu.memory_space<hbm>>) dst(%dma_wait3A_443 : memref<104x64xf32, #tpu.memory_space<vmem>>)
    %dma_wait3A_452 = arith.constant 124 : i32
    %dma_wait3A_453 = arith.constant 0 : i32
    %dma_wait3A_454 = arith.constant 0 : i32
    %dma_wait3A_455 = arith.constant 104 : i32
    %dma_wait3A_456 = arith.constant 0 : i32
    %dma_wait3A_457 = tpu.memref_slice %arg6[%dma_wait3A_453, %dma_wait3A_455, %dma_wait3A_456] : memref<4x200x64xf32, #tpu.memory_space<vmem>> -> memref<1x96x64xf32, #tpu.memory_space<vmem>>
    %dma_wait3A_458 = tpu.memref_squeeze %dma_wait3A_457 : memref<1x96x64xf32, #tpu.memory_space<vmem>> -> memref<96x64xf32, #tpu.memory_space<vmem>>
    %dma_wait3A_459 = arith.constant 104 : i32
    %dma_wait3A_460 = tpu.memref_slice %arg5[%dma_wait3A_452, %dma_wait3A_459] : memref<128x256xi32, #tpu.memory_space<vmem>> -> memref<1x96xi32, #tpu.memory_space<vmem>>
    %dma_wait3A_461 = tpu.memref_squeeze %dma_wait3A_460 : memref<1x96xi32, #tpu.memory_space<vmem>> -> memref<96xi32, #tpu.memory_space<vmem>>
    %dma_wait3A_462 = arith.constant 0 : i32
    %dma_wait3A_463 = arith.constant 0 : i32
    %dma_wait3A_464 = tpu.memref_slice %arg3[%dma_wait3A_462, %dma_wait3A_463] : memref<1000000x64xf32, #tpu.memory_space<hbm>> -> memref<1000000x64xf32, #tpu.memory_space<hbm>>
    %dma_wait3A_465 = tpu.memref_slice %arg7[%dma_wait3A_454] : memref<4x!tpu.dma_semaphore, #tpu.memory_space<semaphore_mem>> -> memref<1x!tpu.dma_semaphore, #tpu.memory_space<semaphore_mem>>
    %dma_wait3A_466 = tpu.memref_squeeze %dma_wait3A_465 : memref<1x!tpu.dma_semaphore, #tpu.memory_space<semaphore_mem>> -> memref<!tpu.dma_semaphore, #tpu.memory_space<semaphore_mem>>
    tpu.wait_indirect_dma semaphore(%dma_wait3A_466 : memref<!tpu.dma_semaphore, #tpu.memory_space<semaphore_mem>>) src(%dma_wait3A_464 : memref<1000000x64xf32, #tpu.memory_space<hbm>>) dst(%dma_wait3A_458 : memref<96x64xf32, #tpu.memory_space<vmem>>)
    %add3A_467 = arith.constant 124 : i32
    %add3A_468 = arith.addi %mul3A_2, %add3A_467 : i32
    %dma_start3A_469 = arith.constant 0 : i32
    %dma_start3A_470 = arith.constant 0 : i32
    %dma_start3A_471 = arith.constant 0 : i32
    %dma_start3A_472 = arith.constant 0 : i32
    %dma_start3A_473 = tpu.memref_slice %arg6[%dma_start3A_469, %dma_start3A_471, %dma_start3A_472] : memref<4x200x64xf32, #tpu.memory_space<vmem>> -> memref<1x200x64xf32, #tpu.memory_space<vmem>>
    %dma_start3A_474 = tpu.memref_squeeze %dma_start3A_473 : memref<1x200x64xf32, #tpu.memory_space<vmem>> -> memref<200x64xf32, #tpu.memory_space<vmem>>
    %dma_start3A_475 = arith.constant 0 : i32
    %dma_start3A_476 = arith.constant 0 : i32
    %dma_start3A_477 = tpu.memref_slice %arg4[%add3A_468, %dma_start3A_475, %dma_start3A_476] : memref<4096x200x64xf32, #tpu.memory_space<hbm>> -> memref<1x200x64xf32, #tpu.memory_space<hbm>>
    %dma_start3A_478 = tpu.memref_squeeze %dma_start3A_477 : memref<1x200x64xf32, #tpu.memory_space<hbm>> -> memref<200x64xf32, #tpu.memory_space<hbm>>
    %dma_start3A_479 = tpu.memref_slice %arg8[%dma_start3A_470] : memref<4x!tpu.dma_semaphore, #tpu.memory_space<semaphore_mem>> -> memref<1x!tpu.dma_semaphore, #tpu.memory_space<semaphore_mem>>
    %dma_start3A_480 = tpu.memref_squeeze %dma_start3A_479 : memref<1x!tpu.dma_semaphore, #tpu.memory_space<semaphore_mem>> -> memref<!tpu.dma_semaphore, #tpu.memory_space<semaphore_mem>>
    %dma_start3A_481 = arith.constant 0 : i32
    %dma_start3A_482 = arith.constant 0 : i32
    %dma_start3A_483 = tpu.memref_slice %arg4[%add3A_468, %dma_start3A_481, %dma_start3A_482] : memref<4096x200x64xf32, #tpu.memory_space<hbm>> -> memref<1x200x64xf32, #tpu.memory_space<hbm>>
    %dma_start3A_484 = tpu.memref_squeeze %dma_start3A_483 : memref<1x200x64xf32, #tpu.memory_space<hbm>> -> memref<200x64xf32, #tpu.memory_space<hbm>>
    %dma_start3A_485 = arith.constant 0 : i32
    %dma_start3A_486 = arith.constant 0 : i32
    %dma_start3A_487 = tpu.memref_slice %arg6[%dma_start3A_469, %dma_start3A_485, %dma_start3A_486] : memref<4x200x64xf32, #tpu.memory_space<vmem>> -> memref<1x200x64xf32, #tpu.memory_space<vmem>>
    %dma_start3A_488 = tpu.memref_squeeze %dma_start3A_487 : memref<1x200x64xf32, #tpu.memory_space<vmem>> -> memref<200x64xf32, #tpu.memory_space<vmem>>
    tpu.enqueue_dma source(%dma_start3A_488 : memref<200x64xf32, #tpu.memory_space<vmem>>) target(%dma_start3A_484 : memref<200x64xf32, #tpu.memory_space<hbm>>) target_semaphore(%dma_start3A_480 : memref<!tpu.dma_semaphore, #tpu.memory_space<semaphore_mem>>)
    %add3A_489 = arith.constant 122 : i32
    %add3A_490 = arith.addi %mul3A_2, %add3A_489 : i32
    %dma_wait3A_491 = arith.constant 2 : i32
    %dma_wait3A_492 = arith.constant 2 : i32
    %dma_wait3A_493 = arith.constant 0 : i32
    %dma_wait3A_494 = arith.constant 0 : i32
    %dma_wait3A_495 = tpu.memref_slice %arg6[%dma_wait3A_491, %dma_wait3A_493, %dma_wait3A_494] : memref<4x200x64xf32, #tpu.memory_space<vmem>> -> memref<1x200x64xf32, #tpu.memory_space<vmem>>
    %dma_wait3A_496 = tpu.memref_squeeze %dma_wait3A_495 : memref<1x200x64xf32, #tpu.memory_space<vmem>> -> memref<200x64xf32, #tpu.memory_space<vmem>>
    %dma_wait3A_497 = arith.constant 0 : i32
    %dma_wait3A_498 = arith.constant 0 : i32
    %dma_wait3A_499 = tpu.memref_slice %arg4[%add3A_490, %dma_wait3A_497, %dma_wait3A_498] : memref<4096x200x64xf32, #tpu.memory_space<hbm>> -> memref<1x200x64xf32, #tpu.memory_space<hbm>>
    %dma_wait3A_500 = tpu.memref_squeeze %dma_wait3A_499 : memref<1x200x64xf32, #tpu.memory_space<hbm>> -> memref<200x64xf32, #tpu.memory_space<hbm>>
    %dma_wait3A_501 = tpu.memref_slice %arg8[%dma_wait3A_492] : memref<4x!tpu.dma_semaphore, #tpu.memory_space<semaphore_mem>> -> memref<1x!tpu.dma_semaphore, #tpu.memory_space<semaphore_mem>>
    %dma_wait3A_502 = tpu.memref_squeeze %dma_wait3A_501 : memref<1x!tpu.dma_semaphore, #tpu.memory_space<semaphore_mem>> -> memref<!tpu.dma_semaphore, #tpu.memory_space<semaphore_mem>>
    %dma_wait3A_503 = arith.constant 0 : i32
    %dma_wait3A_504 = arith.constant 0 : i32
    %dma_wait3A_505 = tpu.memref_slice %arg4[%add3A_490, %dma_wait3A_503, %dma_wait3A_504] : memref<4096x200x64xf32, #tpu.memory_space<hbm>> -> memref<1x200x64xf32, #tpu.memory_space<hbm>>
    %dma_wait3A_506 = tpu.memref_squeeze %dma_wait3A_505 : memref<1x200x64xf32, #tpu.memory_space<hbm>> -> memref<200x64xf32, #tpu.memory_space<hbm>>
    %dma_wait3A_507 = arith.constant 0 : i32
    %dma_wait3A_508 = arith.constant 0 : i32
    %dma_wait3A_509 = tpu.memref_slice %arg6[%dma_wait3A_491, %dma_wait3A_507, %dma_wait3A_508] : memref<4x200x64xf32, #tpu.memory_space<vmem>> -> memref<1x200x64xf32, #tpu.memory_space<vmem>>
    %dma_wait3A_510 = tpu.memref_squeeze %dma_wait3A_509 : memref<1x200x64xf32, #tpu.memory_space<vmem>> -> memref<200x64xf32, #tpu.memory_space<vmem>>
    tpu.wait_dma2 semaphore(%dma_wait3A_502 : memref<!tpu.dma_semaphore, #tpu.memory_space<semaphore_mem>>) src(%dma_wait3A_510 : memref<200x64xf32, #tpu.memory_space<vmem>>) dst(%dma_wait3A_506 : memref<200x64xf32, #tpu.memory_space<hbm>>)
    %dma_start3A_511 = arith.constant 126 : i32
    %dma_start3A_512 = arith.constant 2 : i32
    %dma_start3A_513 = arith.constant 2 : i32
    %dma_start3A_514 = arith.constant 0 : i32
    %dma_start3A_515 = arith.constant 0 : i32
    %dma_start3A_516 = tpu.memref_slice %arg6[%dma_start3A_512, %dma_start3A_514, %dma_start3A_515] : memref<4x200x64xf32, #tpu.memory_space<vmem>> -> memref<1x104x64xf32, #tpu.memory_space<vmem>>
    %dma_start3A_517 = tpu.memref_squeeze %dma_start3A_516 : memref<1x104x64xf32, #tpu.memory_space<vmem>> -> memref<104x64xf32, #tpu.memory_space<vmem>>
    %dma_start3A_518 = arith.constant 0 : i32
    %dma_start3A_519 = tpu.memref_slice %arg5[%dma_start3A_511, %dma_start3A_518] : memref<128x256xi32, #tpu.memory_space<vmem>> -> memref<1x104xi32, #tpu.memory_space<vmem>>
    %dma_start3A_520 = tpu.memref_squeeze %dma_start3A_519 : memref<1x104xi32, #tpu.memory_space<vmem>> -> memref<104xi32, #tpu.memory_space<vmem>>
    %dma_start3A_521 = arith.constant 0 : i32
    %dma_start3A_522 = arith.constant 0 : i32
    %dma_start3A_523 = tpu.memref_slice %arg3[%dma_start3A_521, %dma_start3A_522] : memref<1000000x64xf32, #tpu.memory_space<hbm>> -> memref<1000000x64xf32, #tpu.memory_space<hbm>>
    %dma_start3A_524 = tpu.memref_slice %arg7[%dma_start3A_513] : memref<4x!tpu.dma_semaphore, #tpu.memory_space<semaphore_mem>> -> memref<1x!tpu.dma_semaphore, #tpu.memory_space<semaphore_mem>>
    %dma_start3A_525 = tpu.memref_squeeze %dma_start3A_524 : memref<1x!tpu.dma_semaphore, #tpu.memory_space<semaphore_mem>> -> memref<!tpu.dma_semaphore, #tpu.memory_space<semaphore_mem>>
    tpu.enqueue_indirect_dma source(%dma_start3A_523 : memref<1000000x64xf32, #tpu.memory_space<hbm>>) target(%dma_start3A_517 : memref<104x64xf32, #tpu.memory_space<vmem>>) offsets(%dma_start3A_520 : memref<104xi32, #tpu.memory_space<vmem>>) semaphore(%dma_start3A_525 : memref<!tpu.dma_semaphore, #tpu.memory_space<semaphore_mem>>)
    %dma_start3A_526 = arith.constant 126 : i32
    %dma_start3A_527 = arith.constant 2 : i32
    %dma_start3A_528 = arith.constant 2 : i32
    %dma_start3A_529 = arith.constant 104 : i32
    %dma_start3A_530 = arith.constant 0 : i32
    %dma_start3A_531 = tpu.memref_slice %arg6[%dma_start3A_527, %dma_start3A_529, %dma_start3A_530] : memref<4x200x64xf32, #tpu.memory_space<vmem>> -> memref<1x96x64xf32, #tpu.memory_space<vmem>>
    %dma_start3A_532 = tpu.memref_squeeze %dma_start3A_531 : memref<1x96x64xf32, #tpu.memory_space<vmem>> -> memref<96x64xf32, #tpu.memory_space<vmem>>
    %dma_start3A_533 = arith.constant 104 : i32
    %dma_start3A_534 = tpu.memref_slice %arg5[%dma_start3A_526, %dma_start3A_533] : memref<128x256xi32, #tpu.memory_space<vmem>> -> memref<1x96xi32, #tpu.memory_space<vmem>>
    %dma_start3A_535 = tpu.memref_squeeze %dma_start3A_534 : memref<1x96xi32, #tpu.memory_space<vmem>> -> memref<96xi32, #tpu.memory_space<vmem>>
    %dma_start3A_536 = arith.constant 0 : i32
    %dma_start3A_537 = arith.constant 0 : i32
    %dma_start3A_538 = tpu.memref_slice %arg3[%dma_start3A_536, %dma_start3A_537] : memref<1000000x64xf32, #tpu.memory_space<hbm>> -> memref<1000000x64xf32, #tpu.memory_space<hbm>>
    %dma_start3A_539 = tpu.memref_slice %arg7[%dma_start3A_528] : memref<4x!tpu.dma_semaphore, #tpu.memory_space<semaphore_mem>> -> memref<1x!tpu.dma_semaphore, #tpu.memory_space<semaphore_mem>>
    %dma_start3A_540 = tpu.memref_squeeze %dma_start3A_539 : memref<1x!tpu.dma_semaphore, #tpu.memory_space<semaphore_mem>> -> memref<!tpu.dma_semaphore, #tpu.memory_space<semaphore_mem>>
    tpu.enqueue_indirect_dma source(%dma_start3A_538 : memref<1000000x64xf32, #tpu.memory_space<hbm>>) target(%dma_start3A_532 : memref<96x64xf32, #tpu.memory_space<vmem>>) offsets(%dma_start3A_535 : memref<96xi32, #tpu.memory_space<vmem>>) semaphore(%dma_start3A_540 : memref<!tpu.dma_semaphore, #tpu.memory_space<semaphore_mem>>)
    %dma_wait3A_541 = arith.constant 125 : i32
    %dma_wait3A_542 = arith.constant 1 : i32
    %dma_wait3A_543 = arith.constant 1 : i32
    %dma_wait3A_544 = arith.constant 0 : i32
    %dma_wait3A_545 = arith.constant 0 : i32
    %dma_wait3A_546 = tpu.memref_slice %arg6[%dma_wait3A_542, %dma_wait3A_544, %dma_wait3A_545] : memref<4x200x64xf32, #tpu.memory_space<vmem>> -> memref<1x104x64xf32, #tpu.memory_space<vmem>>
    %dma_wait3A_547 = tpu.memref_squeeze %dma_wait3A_546 : memref<1x104x64xf32, #tpu.memory_space<vmem>> -> memref<104x64xf32, #tpu.memory_space<vmem>>
    %dma_wait3A_548 = arith.constant 0 : i32
    %dma_wait3A_549 = tpu.memref_slice %arg5[%dma_wait3A_541, %dma_wait3A_548] : memref<128x256xi32, #tpu.memory_space<vmem>> -> memref<1x104xi32, #tpu.memory_space<vmem>>
    %dma_wait3A_550 = tpu.memref_squeeze %dma_wait3A_549 : memref<1x104xi32, #tpu.memory_space<vmem>> -> memref<104xi32, #tpu.memory_space<vmem>>
    %dma_wait3A_551 = arith.constant 0 : i32
    %dma_wait3A_552 = arith.constant 0 : i32
    %dma_wait3A_553 = tpu.memref_slice %arg3[%dma_wait3A_551, %dma_wait3A_552] : memref<1000000x64xf32, #tpu.memory_space<hbm>> -> memref<1000000x64xf32, #tpu.memory_space<hbm>>
    %dma_wait3A_554 = tpu.memref_slice %arg7[%dma_wait3A_543] : memref<4x!tpu.dma_semaphore, #tpu.memory_space<semaphore_mem>> -> memref<1x!tpu.dma_semaphore, #tpu.memory_space<semaphore_mem>>
    %dma_wait3A_555 = tpu.memref_squeeze %dma_wait3A_554 : memref<1x!tpu.dma_semaphore, #tpu.memory_space<semaphore_mem>> -> memref<!tpu.dma_semaphore, #tpu.memory_space<semaphore_mem>>
    tpu.wait_indirect_dma semaphore(%dma_wait3A_555 : memref<!tpu.dma_semaphore, #tpu.memory_space<semaphore_mem>>) src(%dma_wait3A_553 : memref<1000000x64xf32, #tpu.memory_space<hbm>>) dst(%dma_wait3A_547 : memref<104x64xf32, #tpu.memory_space<vmem>>)
    %dma_wait3A_556 = arith.constant 125 : i32
    %dma_wait3A_557 = arith.constant 1 : i32
    %dma_wait3A_558 = arith.constant 1 : i32
    %dma_wait3A_559 = arith.constant 104 : i32
    %dma_wait3A_560 = arith.constant 0 : i32
    %dma_wait3A_561 = tpu.memref_slice %arg6[%dma_wait3A_557, %dma_wait3A_559, %dma_wait3A_560] : memref<4x200x64xf32, #tpu.memory_space<vmem>> -> memref<1x96x64xf32, #tpu.memory_space<vmem>>
    %dma_wait3A_562 = tpu.memref_squeeze %dma_wait3A_561 : memref<1x96x64xf32, #tpu.memory_space<vmem>> -> memref<96x64xf32, #tpu.memory_space<vmem>>
    %dma_wait3A_563 = arith.constant 104 : i32
    %dma_wait3A_564 = tpu.memref_slice %arg5[%dma_wait3A_556, %dma_wait3A_563] : memref<128x256xi32, #tpu.memory_space<vmem>> -> memref<1x96xi32, #tpu.memory_space<vmem>>
    %dma_wait3A_565 = tpu.memref_squeeze %dma_wait3A_564 : memref<1x96xi32, #tpu.memory_space<vmem>> -> memref<96xi32, #tpu.memory_space<vmem>>
    %dma_wait3A_566 = arith.constant 0 : i32
    %dma_wait3A_567 = arith.constant 0 : i32
    %dma_wait3A_568 = tpu.memref_slice %arg3[%dma_wait3A_566, %dma_wait3A_567] : memref<1000000x64xf32, #tpu.memory_space<hbm>> -> memref<1000000x64xf32, #tpu.memory_space<hbm>>
    %dma_wait3A_569 = tpu.memref_slice %arg7[%dma_wait3A_558] : memref<4x!tpu.dma_semaphore, #tpu.memory_space<semaphore_mem>> -> memref<1x!tpu.dma_semaphore, #tpu.memory_space<semaphore_mem>>
    %dma_wait3A_570 = tpu.memref_squeeze %dma_wait3A_569 : memref<1x!tpu.dma_semaphore, #tpu.memory_space<semaphore_mem>> -> memref<!tpu.dma_semaphore, #tpu.memory_space<semaphore_mem>>
    tpu.wait_indirect_dma semaphore(%dma_wait3A_570 : memref<!tpu.dma_semaphore, #tpu.memory_space<semaphore_mem>>) src(%dma_wait3A_568 : memref<1000000x64xf32, #tpu.memory_space<hbm>>) dst(%dma_wait3A_562 : memref<96x64xf32, #tpu.memory_space<vmem>>)
    %add3A_571 = arith.constant 125 : i32
    %add3A_572 = arith.addi %mul3A_2, %add3A_571 : i32
    %dma_start3A_573 = arith.constant 1 : i32
    %dma_start3A_574 = arith.constant 1 : i32
    %dma_start3A_575 = arith.constant 0 : i32
    %dma_start3A_576 = arith.constant 0 : i32
    %dma_start3A_577 = tpu.memref_slice %arg6[%dma_start3A_573, %dma_start3A_575, %dma_start3A_576] : memref<4x200x64xf32, #tpu.memory_space<vmem>> -> memref<1x200x64xf32, #tpu.memory_space<vmem>>
    %dma_start3A_578 = tpu.memref_squeeze %dma_start3A_577 : memref<1x200x64xf32, #tpu.memory_space<vmem>> -> memref<200x64xf32, #tpu.memory_space<vmem>>
    %dma_start3A_579 = arith.constant 0 : i32
    %dma_start3A_580 = arith.constant 0 : i32
    %dma_start3A_581 = tpu.memref_slice %arg4[%add3A_572, %dma_start3A_579, %dma_start3A_580] : memref<4096x200x64xf32, #tpu.memory_space<hbm>> -> memref<1x200x64xf32, #tpu.memory_space<hbm>>
    %dma_start3A_582 = tpu.memref_squeeze %dma_start3A_581 : memref<1x200x64xf32, #tpu.memory_space<hbm>> -> memref<200x64xf32, #tpu.memory_space<hbm>>
    %dma_start3A_583 = tpu.memref_slice %arg8[%dma_start3A_574] : memref<4x!tpu.dma_semaphore, #tpu.memory_space<semaphore_mem>> -> memref<1x!tpu.dma_semaphore, #tpu.memory_space<semaphore_mem>>
    %dma_start3A_584 = tpu.memref_squeeze %dma_start3A_583 : memref<1x!tpu.dma_semaphore, #tpu.memory_space<semaphore_mem>> -> memref<!tpu.dma_semaphore, #tpu.memory_space<semaphore_mem>>
    %dma_start3A_585 = arith.constant 0 : i32
    %dma_start3A_586 = arith.constant 0 : i32
    %dma_start3A_587 = tpu.memref_slice %arg4[%add3A_572, %dma_start3A_585, %dma_start3A_586] : memref<4096x200x64xf32, #tpu.memory_space<hbm>> -> memref<1x200x64xf32, #tpu.memory_space<hbm>>
    %dma_start3A_588 = tpu.memref_squeeze %dma_start3A_587 : memref<1x200x64xf32, #tpu.memory_space<hbm>> -> memref<200x64xf32, #tpu.memory_space<hbm>>
    %dma_start3A_589 = arith.constant 0 : i32
    %dma_start3A_590 = arith.constant 0 : i32
    %dma_start3A_591 = tpu.memref_slice %arg6[%dma_start3A_573, %dma_start3A_589, %dma_start3A_590] : memref<4x200x64xf32, #tpu.memory_space<vmem>> -> memref<1x200x64xf32, #tpu.memory_space<vmem>>
    %dma_start3A_592 = tpu.memref_squeeze %dma_start3A_591 : memref<1x200x64xf32, #tpu.memory_space<vmem>> -> memref<200x64xf32, #tpu.memory_space<vmem>>
    tpu.enqueue_dma source(%dma_start3A_592 : memref<200x64xf32, #tpu.memory_space<vmem>>) target(%dma_start3A_588 : memref<200x64xf32, #tpu.memory_space<hbm>>) target_semaphore(%dma_start3A_584 : memref<!tpu.dma_semaphore, #tpu.memory_space<semaphore_mem>>)
    %add3A_593 = arith.constant 123 : i32
    %add3A_594 = arith.addi %mul3A_2, %add3A_593 : i32
    %dma_wait3A_595 = arith.constant 3 : i32
    %dma_wait3A_596 = arith.constant 3 : i32
    %dma_wait3A_597 = arith.constant 0 : i32
    %dma_wait3A_598 = arith.constant 0 : i32
    %dma_wait3A_599 = tpu.memref_slice %arg6[%dma_wait3A_595, %dma_wait3A_597, %dma_wait3A_598] : memref<4x200x64xf32, #tpu.memory_space<vmem>> -> memref<1x200x64xf32, #tpu.memory_space<vmem>>
    %dma_wait3A_600 = tpu.memref_squeeze %dma_wait3A_599 : memref<1x200x64xf32, #tpu.memory_space<vmem>> -> memref<200x64xf32, #tpu.memory_space<vmem>>
    %dma_wait3A_601 = arith.constant 0 : i32
    %dma_wait3A_602 = arith.constant 0 : i32
    %dma_wait3A_603 = tpu.memref_slice %arg4[%add3A_594, %dma_wait3A_601, %dma_wait3A_602] : memref<4096x200x64xf32, #tpu.memory_space<hbm>> -> memref<1x200x64xf32, #tpu.memory_space<hbm>>
    %dma_wait3A_604 = tpu.memref_squeeze %dma_wait3A_603 : memref<1x200x64xf32, #tpu.memory_space<hbm>> -> memref<200x64xf32, #tpu.memory_space<hbm>>
    %dma_wait3A_605 = tpu.memref_slice %arg8[%dma_wait3A_596] : memref<4x!tpu.dma_semaphore, #tpu.memory_space<semaphore_mem>> -> memref<1x!tpu.dma_semaphore, #tpu.memory_space<semaphore_mem>>
    %dma_wait3A_606 = tpu.memref_squeeze %dma_wait3A_605 : memref<1x!tpu.dma_semaphore, #tpu.memory_space<semaphore_mem>> -> memref<!tpu.dma_semaphore, #tpu.memory_space<semaphore_mem>>
    %dma_wait3A_607 = arith.constant 0 : i32
    %dma_wait3A_608 = arith.constant 0 : i32
    %dma_wait3A_609 = tpu.memref_slice %arg4[%add3A_594, %dma_wait3A_607, %dma_wait3A_608] : memref<4096x200x64xf32, #tpu.memory_space<hbm>> -> memref<1x200x64xf32, #tpu.memory_space<hbm>>
    %dma_wait3A_610 = tpu.memref_squeeze %dma_wait3A_609 : memref<1x200x64xf32, #tpu.memory_space<hbm>> -> memref<200x64xf32, #tpu.memory_space<hbm>>
    %dma_wait3A_611 = arith.constant 0 : i32
    %dma_wait3A_612 = arith.constant 0 : i32
    %dma_wait3A_613 = tpu.memref_slice %arg6[%dma_wait3A_595, %dma_wait3A_611, %dma_wait3A_612] : memref<4x200x64xf32, #tpu.memory_space<vmem>> -> memref<1x200x64xf32, #tpu.memory_space<vmem>>
    %dma_wait3A_614 = tpu.memref_squeeze %dma_wait3A_613 : memref<1x200x64xf32, #tpu.memory_space<vmem>> -> memref<200x64xf32, #tpu.memory_space<vmem>>
    tpu.wait_dma2 semaphore(%dma_wait3A_606 : memref<!tpu.dma_semaphore, #tpu.memory_space<semaphore_mem>>) src(%dma_wait3A_614 : memref<200x64xf32, #tpu.memory_space<vmem>>) dst(%dma_wait3A_610 : memref<200x64xf32, #tpu.memory_space<hbm>>)
    %dma_start3A_615 = arith.constant 127 : i32
    %dma_start3A_616 = arith.constant 3 : i32
    %dma_start3A_617 = arith.constant 3 : i32
    %dma_start3A_618 = arith.constant 0 : i32
    %dma_start3A_619 = arith.constant 0 : i32
    %dma_start3A_620 = tpu.memref_slice %arg6[%dma_start3A_616, %dma_start3A_618, %dma_start3A_619] : memref<4x200x64xf32, #tpu.memory_space<vmem>> -> memref<1x104x64xf32, #tpu.memory_space<vmem>>
    %dma_start3A_621 = tpu.memref_squeeze %dma_start3A_620 : memref<1x104x64xf32, #tpu.memory_space<vmem>> -> memref<104x64xf32, #tpu.memory_space<vmem>>
    %dma_start3A_622 = arith.constant 0 : i32
    %dma_start3A_623 = tpu.memref_slice %arg5[%dma_start3A_615, %dma_start3A_622] : memref<128x256xi32, #tpu.memory_space<vmem>> -> memref<1x104xi32, #tpu.memory_space<vmem>>
    %dma_start3A_624 = tpu.memref_squeeze %dma_start3A_623 : memref<1x104xi32, #tpu.memory_space<vmem>> -> memref<104xi32, #tpu.memory_space<vmem>>
    %dma_start3A_625 = arith.constant 0 : i32
    %dma_start3A_626 = arith.constant 0 : i32
    %dma_start3A_627 = tpu.memref_slice %arg3[%dma_start3A_625, %dma_start3A_626] : memref<1000000x64xf32, #tpu.memory_space<hbm>> -> memref<1000000x64xf32, #tpu.memory_space<hbm>>
    %dma_start3A_628 = tpu.memref_slice %arg7[%dma_start3A_617] : memref<4x!tpu.dma_semaphore, #tpu.memory_space<semaphore_mem>> -> memref<1x!tpu.dma_semaphore, #tpu.memory_space<semaphore_mem>>
    %dma_start3A_629 = tpu.memref_squeeze %dma_start3A_628 : memref<1x!tpu.dma_semaphore, #tpu.memory_space<semaphore_mem>> -> memref<!tpu.dma_semaphore, #tpu.memory_space<semaphore_mem>>
    tpu.enqueue_indirect_dma source(%dma_start3A_627 : memref<1000000x64xf32, #tpu.memory_space<hbm>>) target(%dma_start3A_621 : memref<104x64xf32, #tpu.memory_space<vmem>>) offsets(%dma_start3A_624 : memref<104xi32, #tpu.memory_space<vmem>>) semaphore(%dma_start3A_629 : memref<!tpu.dma_semaphore, #tpu.memory_space<semaphore_mem>>)
    %dma_start3A_630 = arith.constant 127 : i32
    %dma_start3A_631 = arith.constant 3 : i32
    %dma_start3A_632 = arith.constant 3 : i32
    %dma_start3A_633 = arith.constant 104 : i32
    %dma_start3A_634 = arith.constant 0 : i32
    %dma_start3A_635 = tpu.memref_slice %arg6[%dma_start3A_631, %dma_start3A_633, %dma_start3A_634] : memref<4x200x64xf32, #tpu.memory_space<vmem>> -> memref<1x96x64xf32, #tpu.memory_space<vmem>>
    %dma_start3A_636 = tpu.memref_squeeze %dma_start3A_635 : memref<1x96x64xf32, #tpu.memory_space<vmem>> -> memref<96x64xf32, #tpu.memory_space<vmem>>
    %dma_start3A_637 = arith.constant 104 : i32
    %dma_start3A_638 = tpu.memref_slice %arg5[%dma_start3A_630, %dma_start3A_637] : memref<128x256xi32, #tpu.memory_space<vmem>> -> memref<1x96xi32, #tpu.memory_space<vmem>>
    %dma_start3A_639 = tpu.memref_squeeze %dma_start3A_638 : memref<1x96xi32, #tpu.memory_space<vmem>> -> memref<96xi32, #tpu.memory_space<vmem>>
    %dma_start3A_640 = arith.constant 0 : i32
    %dma_start3A_641 = arith.constant 0 : i32
    %dma_start3A_642 = tpu.memref_slice %arg3[%dma_start3A_640, %dma_start3A_641] : memref<1000000x64xf32, #tpu.memory_space<hbm>> -> memref<1000000x64xf32, #tpu.memory_space<hbm>>
    %dma_start3A_643 = tpu.memref_slice %arg7[%dma_start3A_632] : memref<4x!tpu.dma_semaphore, #tpu.memory_space<semaphore_mem>> -> memref<1x!tpu.dma_semaphore, #tpu.memory_space<semaphore_mem>>
    %dma_start3A_644 = tpu.memref_squeeze %dma_start3A_643 : memref<1x!tpu.dma_semaphore, #tpu.memory_space<semaphore_mem>> -> memref<!tpu.dma_semaphore, #tpu.memory_space<semaphore_mem>>
    tpu.enqueue_indirect_dma source(%dma_start3A_642 : memref<1000000x64xf32, #tpu.memory_space<hbm>>) target(%dma_start3A_636 : memref<96x64xf32, #tpu.memory_space<vmem>>) offsets(%dma_start3A_639 : memref<96xi32, #tpu.memory_space<vmem>>) semaphore(%dma_start3A_644 : memref<!tpu.dma_semaphore, #tpu.memory_space<semaphore_mem>>)
    %dma_wait3A_645 = arith.constant 126 : i32
    %dma_wait3A_646 = arith.constant 2 : i32
    %dma_wait3A_647 = arith.constant 2 : i32
    %dma_wait3A_648 = arith.constant 0 : i32
    %dma_wait3A_649 = arith.constant 0 : i32
    %dma_wait3A_650 = tpu.memref_slice %arg6[%dma_wait3A_646, %dma_wait3A_648, %dma_wait3A_649] : memref<4x200x64xf32, #tpu.memory_space<vmem>> -> memref<1x104x64xf32, #tpu.memory_space<vmem>>
    %dma_wait3A_651 = tpu.memref_squeeze %dma_wait3A_650 : memref<1x104x64xf32, #tpu.memory_space<vmem>> -> memref<104x64xf32, #tpu.memory_space<vmem>>
    %dma_wait3A_652 = arith.constant 0 : i32
    %dma_wait3A_653 = tpu.memref_slice %arg5[%dma_wait3A_645, %dma_wait3A_652] : memref<128x256xi32, #tpu.memory_space<vmem>> -> memref<1x104xi32, #tpu.memory_space<vmem>>
    %dma_wait3A_654 = tpu.memref_squeeze %dma_wait3A_653 : memref<1x104xi32, #tpu.memory_space<vmem>> -> memref<104xi32, #tpu.memory_space<vmem>>
    %dma_wait3A_655 = arith.constant 0 : i32
    %dma_wait3A_656 = arith.constant 0 : i32
    %dma_wait3A_657 = tpu.memref_slice %arg3[%dma_wait3A_655, %dma_wait3A_656] : memref<1000000x64xf32, #tpu.memory_space<hbm>> -> memref<1000000x64xf32, #tpu.memory_space<hbm>>
    %dma_wait3A_658 = tpu.memref_slice %arg7[%dma_wait3A_647] : memref<4x!tpu.dma_semaphore, #tpu.memory_space<semaphore_mem>> -> memref<1x!tpu.dma_semaphore, #tpu.memory_space<semaphore_mem>>
    %dma_wait3A_659 = tpu.memref_squeeze %dma_wait3A_658 : memref<1x!tpu.dma_semaphore, #tpu.memory_space<semaphore_mem>> -> memref<!tpu.dma_semaphore, #tpu.memory_space<semaphore_mem>>
    tpu.wait_indirect_dma semaphore(%dma_wait3A_659 : memref<!tpu.dma_semaphore, #tpu.memory_space<semaphore_mem>>) src(%dma_wait3A_657 : memref<1000000x64xf32, #tpu.memory_space<hbm>>) dst(%dma_wait3A_651 : memref<104x64xf32, #tpu.memory_space<vmem>>)
    %dma_wait3A_660 = arith.constant 126 : i32
    %dma_wait3A_661 = arith.constant 2 : i32
    %dma_wait3A_662 = arith.constant 2 : i32
    %dma_wait3A_663 = arith.constant 104 : i32
    %dma_wait3A_664 = arith.constant 0 : i32
    %dma_wait3A_665 = tpu.memref_slice %arg6[%dma_wait3A_661, %dma_wait3A_663, %dma_wait3A_664] : memref<4x200x64xf32, #tpu.memory_space<vmem>> -> memref<1x96x64xf32, #tpu.memory_space<vmem>>
    %dma_wait3A_666 = tpu.memref_squeeze %dma_wait3A_665 : memref<1x96x64xf32, #tpu.memory_space<vmem>> -> memref<96x64xf32, #tpu.memory_space<vmem>>
    %dma_wait3A_667 = arith.constant 104 : i32
    %dma_wait3A_668 = tpu.memref_slice %arg5[%dma_wait3A_660, %dma_wait3A_667] : memref<128x256xi32, #tpu.memory_space<vmem>> -> memref<1x96xi32, #tpu.memory_space<vmem>>
    %dma_wait3A_669 = tpu.memref_squeeze %dma_wait3A_668 : memref<1x96xi32, #tpu.memory_space<vmem>> -> memref<96xi32, #tpu.memory_space<vmem>>
    %dma_wait3A_670 = arith.constant 0 : i32
    %dma_wait3A_671 = arith.constant 0 : i32
    %dma_wait3A_672 = tpu.memref_slice %arg3[%dma_wait3A_670, %dma_wait3A_671] : memref<1000000x64xf32, #tpu.memory_space<hbm>> -> memref<1000000x64xf32, #tpu.memory_space<hbm>>
    %dma_wait3A_673 = tpu.memref_slice %arg7[%dma_wait3A_662] : memref<4x!tpu.dma_semaphore, #tpu.memory_space<semaphore_mem>> -> memref<1x!tpu.dma_semaphore, #tpu.memory_space<semaphore_mem>>
    %dma_wait3A_674 = tpu.memref_squeeze %dma_wait3A_673 : memref<1x!tpu.dma_semaphore, #tpu.memory_space<semaphore_mem>> -> memref<!tpu.dma_semaphore, #tpu.memory_space<semaphore_mem>>
    tpu.wait_indirect_dma semaphore(%dma_wait3A_674 : memref<!tpu.dma_semaphore, #tpu.memory_space<semaphore_mem>>) src(%dma_wait3A_672 : memref<1000000x64xf32, #tpu.memory_space<hbm>>) dst(%dma_wait3A_666 : memref<96x64xf32, #tpu.memory_space<vmem>>)
    %add3A_675 = arith.constant 126 : i32
    %add3A_676 = arith.addi %mul3A_2, %add3A_675 : i32
    %dma_start3A_677 = arith.constant 2 : i32
    %dma_start3A_678 = arith.constant 2 : i32
    %dma_start3A_679 = arith.constant 0 : i32
    %dma_start3A_680 = arith.constant 0 : i32
    %dma_start3A_681 = tpu.memref_slice %arg6[%dma_start3A_677, %dma_start3A_679, %dma_start3A_680] : memref<4x200x64xf32, #tpu.memory_space<vmem>> -> memref<1x200x64xf32, #tpu.memory_space<vmem>>
    %dma_start3A_682 = tpu.memref_squeeze %dma_start3A_681 : memref<1x200x64xf32, #tpu.memory_space<vmem>> -> memref<200x64xf32, #tpu.memory_space<vmem>>
    %dma_start3A_683 = arith.constant 0 : i32
    %dma_start3A_684 = arith.constant 0 : i32
    %dma_start3A_685 = tpu.memref_slice %arg4[%add3A_676, %dma_start3A_683, %dma_start3A_684] : memref<4096x200x64xf32, #tpu.memory_space<hbm>> -> memref<1x200x64xf32, #tpu.memory_space<hbm>>
    %dma_start3A_686 = tpu.memref_squeeze %dma_start3A_685 : memref<1x200x64xf32, #tpu.memory_space<hbm>> -> memref<200x64xf32, #tpu.memory_space<hbm>>
    %dma_start3A_687 = tpu.memref_slice %arg8[%dma_start3A_678] : memref<4x!tpu.dma_semaphore, #tpu.memory_space<semaphore_mem>> -> memref<1x!tpu.dma_semaphore, #tpu.memory_space<semaphore_mem>>
    %dma_start3A_688 = tpu.memref_squeeze %dma_start3A_687 : memref<1x!tpu.dma_semaphore, #tpu.memory_space<semaphore_mem>> -> memref<!tpu.dma_semaphore, #tpu.memory_space<semaphore_mem>>
    %dma_start3A_689 = arith.constant 0 : i32
    %dma_start3A_690 = arith.constant 0 : i32
    %dma_start3A_691 = tpu.memref_slice %arg4[%add3A_676, %dma_start3A_689, %dma_start3A_690] : memref<4096x200x64xf32, #tpu.memory_space<hbm>> -> memref<1x200x64xf32, #tpu.memory_space<hbm>>
    %dma_start3A_692 = tpu.memref_squeeze %dma_start3A_691 : memref<1x200x64xf32, #tpu.memory_space<hbm>> -> memref<200x64xf32, #tpu.memory_space<hbm>>
    %dma_start3A_693 = arith.constant 0 : i32
    %dma_start3A_694 = arith.constant 0 : i32
    %dma_start3A_695 = tpu.memref_slice %arg6[%dma_start3A_677, %dma_start3A_693, %dma_start3A_694] : memref<4x200x64xf32, #tpu.memory_space<vmem>> -> memref<1x200x64xf32, #tpu.memory_space<vmem>>
    %dma_start3A_696 = tpu.memref_squeeze %dma_start3A_695 : memref<1x200x64xf32, #tpu.memory_space<vmem>> -> memref<200x64xf32, #tpu.memory_space<vmem>>
    tpu.enqueue_dma source(%dma_start3A_696 : memref<200x64xf32, #tpu.memory_space<vmem>>) target(%dma_start3A_692 : memref<200x64xf32, #tpu.memory_space<hbm>>) target_semaphore(%dma_start3A_688 : memref<!tpu.dma_semaphore, #tpu.memory_space<semaphore_mem>>)
    %add3A_697 = arith.constant 124 : i32
    %add3A_698 = arith.addi %mul3A_2, %add3A_697 : i32
    %dma_wait3A_699 = arith.constant 0 : i32
    %dma_wait3A_700 = arith.constant 0 : i32
    %dma_wait3A_701 = arith.constant 0 : i32
    %dma_wait3A_702 = arith.constant 0 : i32
    %dma_wait3A_703 = tpu.memref_slice %arg6[%dma_wait3A_699, %dma_wait3A_701, %dma_wait3A_702] : memref<4x200x64xf32, #tpu.memory_space<vmem>> -> memref<1x200x64xf32, #tpu.memory_space<vmem>>
    %dma_wait3A_704 = tpu.memref_squeeze %dma_wait3A_703 : memref<1x200x64xf32, #tpu.memory_space<vmem>> -> memref<200x64xf32, #tpu.memory_space<vmem>>
    %dma_wait3A_705 = arith.constant 0 : i32
    %dma_wait3A_706 = arith.constant 0 : i32
    %dma_wait3A_707 = tpu.memref_slice %arg4[%add3A_698, %dma_wait3A_705, %dma_wait3A_706] : memref<4096x200x64xf32, #tpu.memory_space<hbm>> -> memref<1x200x64xf32, #tpu.memory_space<hbm>>
    %dma_wait3A_708 = tpu.memref_squeeze %dma_wait3A_707 : memref<1x200x64xf32, #tpu.memory_space<hbm>> -> memref<200x64xf32, #tpu.memory_space<hbm>>
    %dma_wait3A_709 = tpu.memref_slice %arg8[%dma_wait3A_700] : memref<4x!tpu.dma_semaphore, #tpu.memory_space<semaphore_mem>> -> memref<1x!tpu.dma_semaphore, #tpu.memory_space<semaphore_mem>>
    %dma_wait3A_710 = tpu.memref_squeeze %dma_wait3A_709 : memref<1x!tpu.dma_semaphore, #tpu.memory_space<semaphore_mem>> -> memref<!tpu.dma_semaphore, #tpu.memory_space<semaphore_mem>>
    %dma_wait3A_711 = arith.constant 0 : i32
    %dma_wait3A_712 = arith.constant 0 : i32
    %dma_wait3A_713 = tpu.memref_slice %arg4[%add3A_698, %dma_wait3A_711, %dma_wait3A_712] : memref<4096x200x64xf32, #tpu.memory_space<hbm>> -> memref<1x200x64xf32, #tpu.memory_space<hbm>>
    %dma_wait3A_714 = tpu.memref_squeeze %dma_wait3A_713 : memref<1x200x64xf32, #tpu.memory_space<hbm>> -> memref<200x64xf32, #tpu.memory_space<hbm>>
    %dma_wait3A_715 = arith.constant 0 : i32
    %dma_wait3A_716 = arith.constant 0 : i32
    %dma_wait3A_717 = tpu.memref_slice %arg6[%dma_wait3A_699, %dma_wait3A_715, %dma_wait3A_716] : memref<4x200x64xf32, #tpu.memory_space<vmem>> -> memref<1x200x64xf32, #tpu.memory_space<vmem>>
    %dma_wait3A_718 = tpu.memref_squeeze %dma_wait3A_717 : memref<1x200x64xf32, #tpu.memory_space<vmem>> -> memref<200x64xf32, #tpu.memory_space<vmem>>
    tpu.wait_dma2 semaphore(%dma_wait3A_710 : memref<!tpu.dma_semaphore, #tpu.memory_space<semaphore_mem>>) src(%dma_wait3A_718 : memref<200x64xf32, #tpu.memory_space<vmem>>) dst(%dma_wait3A_714 : memref<200x64xf32, #tpu.memory_space<hbm>>)
    %dma_wait3A_719 = arith.constant 127 : i32
    %dma_wait3A_720 = arith.constant 3 : i32
    %dma_wait3A_721 = arith.constant 3 : i32
    %dma_wait3A_722 = arith.constant 0 : i32
    %dma_wait3A_723 = arith.constant 0 : i32
    %dma_wait3A_724 = tpu.memref_slice %arg6[%dma_wait3A_720, %dma_wait3A_722, %dma_wait3A_723] : memref<4x200x64xf32, #tpu.memory_space<vmem>> -> memref<1x104x64xf32, #tpu.memory_space<vmem>>
    %dma_wait3A_725 = tpu.memref_squeeze %dma_wait3A_724 : memref<1x104x64xf32, #tpu.memory_space<vmem>> -> memref<104x64xf32, #tpu.memory_space<vmem>>
    %dma_wait3A_726 = arith.constant 0 : i32
    %dma_wait3A_727 = tpu.memref_slice %arg5[%dma_wait3A_719, %dma_wait3A_726] : memref<128x256xi32, #tpu.memory_space<vmem>> -> memref<1x104xi32, #tpu.memory_space<vmem>>
    %dma_wait3A_728 = tpu.memref_squeeze %dma_wait3A_727 : memref<1x104xi32, #tpu.memory_space<vmem>> -> memref<104xi32, #tpu.memory_space<vmem>>
    %dma_wait3A_729 = arith.constant 0 : i32
    %dma_wait3A_730 = arith.constant 0 : i32
    %dma_wait3A_731 = tpu.memref_slice %arg3[%dma_wait3A_729, %dma_wait3A_730] : memref<1000000x64xf32, #tpu.memory_space<hbm>> -> memref<1000000x64xf32, #tpu.memory_space<hbm>>
    %dma_wait3A_732 = tpu.memref_slice %arg7[%dma_wait3A_721] : memref<4x!tpu.dma_semaphore, #tpu.memory_space<semaphore_mem>> -> memref<1x!tpu.dma_semaphore, #tpu.memory_space<semaphore_mem>>
    %dma_wait3A_733 = tpu.memref_squeeze %dma_wait3A_732 : memref<1x!tpu.dma_semaphore, #tpu.memory_space<semaphore_mem>> -> memref<!tpu.dma_semaphore, #tpu.memory_space<semaphore_mem>>
    tpu.wait_indirect_dma semaphore(%dma_wait3A_733 : memref<!tpu.dma_semaphore, #tpu.memory_space<semaphore_mem>>) src(%dma_wait3A_731 : memref<1000000x64xf32, #tpu.memory_space<hbm>>) dst(%dma_wait3A_725 : memref<104x64xf32, #tpu.memory_space<vmem>>)
    %dma_wait3A_734 = arith.constant 127 : i32
    %dma_wait3A_735 = arith.constant 3 : i32
    %dma_wait3A_736 = arith.constant 3 : i32
    %dma_wait3A_737 = arith.constant 104 : i32
    %dma_wait3A_738 = arith.constant 0 : i32
    %dma_wait3A_739 = tpu.memref_slice %arg6[%dma_wait3A_735, %dma_wait3A_737, %dma_wait3A_738] : memref<4x200x64xf32, #tpu.memory_space<vmem>> -> memref<1x96x64xf32, #tpu.memory_space<vmem>>
    %dma_wait3A_740 = tpu.memref_squeeze %dma_wait3A_739 : memref<1x96x64xf32, #tpu.memory_space<vmem>> -> memref<96x64xf32, #tpu.memory_space<vmem>>
    %dma_wait3A_741 = arith.constant 104 : i32
    %dma_wait3A_742 = tpu.memref_slice %arg5[%dma_wait3A_734, %dma_wait3A_741] : memref<128x256xi32, #tpu.memory_space<vmem>> -> memref<1x96xi32, #tpu.memory_space<vmem>>
    %dma_wait3A_743 = tpu.memref_squeeze %dma_wait3A_742 : memref<1x96xi32, #tpu.memory_space<vmem>> -> memref<96xi32, #tpu.memory_space<vmem>>
    %dma_wait3A_744 = arith.constant 0 : i32
    %dma_wait3A_745 = arith.constant 0 : i32
    %dma_wait3A_746 = tpu.memref_slice %arg3[%dma_wait3A_744, %dma_wait3A_745] : memref<1000000x64xf32, #tpu.memory_space<hbm>> -> memref<1000000x64xf32, #tpu.memory_space<hbm>>
    %dma_wait3A_747 = tpu.memref_slice %arg7[%dma_wait3A_736] : memref<4x!tpu.dma_semaphore, #tpu.memory_space<semaphore_mem>> -> memref<1x!tpu.dma_semaphore, #tpu.memory_space<semaphore_mem>>
    %dma_wait3A_748 = tpu.memref_squeeze %dma_wait3A_747 : memref<1x!tpu.dma_semaphore, #tpu.memory_space<semaphore_mem>> -> memref<!tpu.dma_semaphore, #tpu.memory_space<semaphore_mem>>
    tpu.wait_indirect_dma semaphore(%dma_wait3A_748 : memref<!tpu.dma_semaphore, #tpu.memory_space<semaphore_mem>>) src(%dma_wait3A_746 : memref<1000000x64xf32, #tpu.memory_space<hbm>>) dst(%dma_wait3A_740 : memref<96x64xf32, #tpu.memory_space<vmem>>)
    %add3A_749 = arith.constant 127 : i32
    %add3A_750 = arith.addi %mul3A_2, %add3A_749 : i32
    %dma_start3A_751 = arith.constant 3 : i32
    %dma_start3A_752 = arith.constant 3 : i32
    %dma_start3A_753 = arith.constant 0 : i32
    %dma_start3A_754 = arith.constant 0 : i32
    %dma_start3A_755 = tpu.memref_slice %arg6[%dma_start3A_751, %dma_start3A_753, %dma_start3A_754] : memref<4x200x64xf32, #tpu.memory_space<vmem>> -> memref<1x200x64xf32, #tpu.memory_space<vmem>>
    %dma_start3A_756 = tpu.memref_squeeze %dma_start3A_755 : memref<1x200x64xf32, #tpu.memory_space<vmem>> -> memref<200x64xf32, #tpu.memory_space<vmem>>
    %dma_start3A_757 = arith.constant 0 : i32
    %dma_start3A_758 = arith.constant 0 : i32
    %dma_start3A_759 = tpu.memref_slice %arg4[%add3A_750, %dma_start3A_757, %dma_start3A_758] : memref<4096x200x64xf32, #tpu.memory_space<hbm>> -> memref<1x200x64xf32, #tpu.memory_space<hbm>>
    %dma_start3A_760 = tpu.memref_squeeze %dma_start3A_759 : memref<1x200x64xf32, #tpu.memory_space<hbm>> -> memref<200x64xf32, #tpu.memory_space<hbm>>
    %dma_start3A_761 = tpu.memref_slice %arg8[%dma_start3A_752] : memref<4x!tpu.dma_semaphore, #tpu.memory_space<semaphore_mem>> -> memref<1x!tpu.dma_semaphore, #tpu.memory_space<semaphore_mem>>
    %dma_start3A_762 = tpu.memref_squeeze %dma_start3A_761 : memref<1x!tpu.dma_semaphore, #tpu.memory_space<semaphore_mem>> -> memref<!tpu.dma_semaphore, #tpu.memory_space<semaphore_mem>>
    %dma_start3A_763 = arith.constant 0 : i32
    %dma_start3A_764 = arith.constant 0 : i32
    %dma_start3A_765 = tpu.memref_slice %arg4[%add3A_750, %dma_start3A_763, %dma_start3A_764] : memref<4096x200x64xf32, #tpu.memory_space<hbm>> -> memref<1x200x64xf32, #tpu.memory_space<hbm>>
    %dma_start3A_766 = tpu.memref_squeeze %dma_start3A_765 : memref<1x200x64xf32, #tpu.memory_space<hbm>> -> memref<200x64xf32, #tpu.memory_space<hbm>>
    %dma_start3A_767 = arith.constant 0 : i32
    %dma_start3A_768 = arith.constant 0 : i32
    %dma_start3A_769 = tpu.memref_slice %arg6[%dma_start3A_751, %dma_start3A_767, %dma_start3A_768] : memref<4x200x64xf32, #tpu.memory_space<vmem>> -> memref<1x200x64xf32, #tpu.memory_space<vmem>>
    %dma_start3A_770 = tpu.memref_squeeze %dma_start3A_769 : memref<1x200x64xf32, #tpu.memory_space<vmem>> -> memref<200x64xf32, #tpu.memory_space<vmem>>
    tpu.enqueue_dma source(%dma_start3A_770 : memref<200x64xf32, #tpu.memory_space<vmem>>) target(%dma_start3A_766 : memref<200x64xf32, #tpu.memory_space<hbm>>) target_semaphore(%dma_start3A_762 : memref<!tpu.dma_semaphore, #tpu.memory_space<semaphore_mem>>)
    %add3A_771 = arith.constant 125 : i32
    %add3A_772 = arith.addi %mul3A_2, %add3A_771 : i32
    %dma_wait3A_773 = arith.constant 1 : i32
    %dma_wait3A_774 = arith.constant 1 : i32
    %dma_wait3A_775 = arith.constant 0 : i32
    %dma_wait3A_776 = arith.constant 0 : i32
    %dma_wait3A_777 = tpu.memref_slice %arg6[%dma_wait3A_773, %dma_wait3A_775, %dma_wait3A_776] : memref<4x200x64xf32, #tpu.memory_space<vmem>> -> memref<1x200x64xf32, #tpu.memory_space<vmem>>
    %dma_wait3A_778 = tpu.memref_squeeze %dma_wait3A_777 : memref<1x200x64xf32, #tpu.memory_space<vmem>> -> memref<200x64xf32, #tpu.memory_space<vmem>>
    %dma_wait3A_779 = arith.constant 0 : i32
    %dma_wait3A_780 = arith.constant 0 : i32
    %dma_wait3A_781 = tpu.memref_slice %arg4[%add3A_772, %dma_wait3A_779, %dma_wait3A_780] : memref<4096x200x64xf32, #tpu.memory_space<hbm>> -> memref<1x200x64xf32, #tpu.memory_space<hbm>>
    %dma_wait3A_782 = tpu.memref_squeeze %dma_wait3A_781 : memref<1x200x64xf32, #tpu.memory_space<hbm>> -> memref<200x64xf32, #tpu.memory_space<hbm>>
    %dma_wait3A_783 = tpu.memref_slice %arg8[%dma_wait3A_774] : memref<4x!tpu.dma_semaphore, #tpu.memory_space<semaphore_mem>> -> memref<1x!tpu.dma_semaphore, #tpu.memory_space<semaphore_mem>>
    %dma_wait3A_784 = tpu.memref_squeeze %dma_wait3A_783 : memref<1x!tpu.dma_semaphore, #tpu.memory_space<semaphore_mem>> -> memref<!tpu.dma_semaphore, #tpu.memory_space<semaphore_mem>>
    %dma_wait3A_785 = arith.constant 0 : i32
    %dma_wait3A_786 = arith.constant 0 : i32
    %dma_wait3A_787 = tpu.memref_slice %arg4[%add3A_772, %dma_wait3A_785, %dma_wait3A_786] : memref<4096x200x64xf32, #tpu.memory_space<hbm>> -> memref<1x200x64xf32, #tpu.memory_space<hbm>>
    %dma_wait3A_788 = tpu.memref_squeeze %dma_wait3A_787 : memref<1x200x64xf32, #tpu.memory_space<hbm>> -> memref<200x64xf32, #tpu.memory_space<hbm>>
    %dma_wait3A_789 = arith.constant 0 : i32
    %dma_wait3A_790 = arith.constant 0 : i32
    %dma_wait3A_791 = tpu.memref_slice %arg6[%dma_wait3A_773, %dma_wait3A_789, %dma_wait3A_790] : memref<4x200x64xf32, #tpu.memory_space<vmem>> -> memref<1x200x64xf32, #tpu.memory_space<vmem>>
    %dma_wait3A_792 = tpu.memref_squeeze %dma_wait3A_791 : memref<1x200x64xf32, #tpu.memory_space<vmem>> -> memref<200x64xf32, #tpu.memory_space<vmem>>
    tpu.wait_dma2 semaphore(%dma_wait3A_784 : memref<!tpu.dma_semaphore, #tpu.memory_space<semaphore_mem>>) src(%dma_wait3A_792 : memref<200x64xf32, #tpu.memory_space<vmem>>) dst(%dma_wait3A_788 : memref<200x64xf32, #tpu.memory_space<hbm>>)
    %add3A_793 = arith.constant 126 : i32
    %add3A_794 = arith.addi %mul3A_2, %add3A_793 : i32
    %dma_wait3A_795 = arith.constant 2 : i32
    %dma_wait3A_796 = arith.constant 2 : i32
    %dma_wait3A_797 = arith.constant 0 : i32
    %dma_wait3A_798 = arith.constant 0 : i32
    %dma_wait3A_799 = tpu.memref_slice %arg6[%dma_wait3A_795, %dma_wait3A_797, %dma_wait3A_798] : memref<4x200x64xf32, #tpu.memory_space<vmem>> -> memref<1x200x64xf32, #tpu.memory_space<vmem>>
    %dma_wait3A_800 = tpu.memref_squeeze %dma_wait3A_799 : memref<1x200x64xf32, #tpu.memory_space<vmem>> -> memref<200x64xf32, #tpu.memory_space<vmem>>
    %dma_wait3A_801 = arith.constant 0 : i32
    %dma_wait3A_802 = arith.constant 0 : i32
    %dma_wait3A_803 = tpu.memref_slice %arg4[%add3A_794, %dma_wait3A_801, %dma_wait3A_802] : memref<4096x200x64xf32, #tpu.memory_space<hbm>> -> memref<1x200x64xf32, #tpu.memory_space<hbm>>
    %dma_wait3A_804 = tpu.memref_squeeze %dma_wait3A_803 : memref<1x200x64xf32, #tpu.memory_space<hbm>> -> memref<200x64xf32, #tpu.memory_space<hbm>>
    %dma_wait3A_805 = tpu.memref_slice %arg8[%dma_wait3A_796] : memref<4x!tpu.dma_semaphore, #tpu.memory_space<semaphore_mem>> -> memref<1x!tpu.dma_semaphore, #tpu.memory_space<semaphore_mem>>
    %dma_wait3A_806 = tpu.memref_squeeze %dma_wait3A_805 : memref<1x!tpu.dma_semaphore, #tpu.memory_space<semaphore_mem>> -> memref<!tpu.dma_semaphore, #tpu.memory_space<semaphore_mem>>
    %dma_wait3A_807 = arith.constant 0 : i32
    %dma_wait3A_808 = arith.constant 0 : i32
    %dma_wait3A_809 = tpu.memref_slice %arg4[%add3A_794, %dma_wait3A_807, %dma_wait3A_808] : memref<4096x200x64xf32, #tpu.memory_space<hbm>> -> memref<1x200x64xf32, #tpu.memory_space<hbm>>
    %dma_wait3A_810 = tpu.memref_squeeze %dma_wait3A_809 : memref<1x200x64xf32, #tpu.memory_space<hbm>> -> memref<200x64xf32, #tpu.memory_space<hbm>>
    %dma_wait3A_811 = arith.constant 0 : i32
    %dma_wait3A_812 = arith.constant 0 : i32
    %dma_wait3A_813 = tpu.memref_slice %arg6[%dma_wait3A_795, %dma_wait3A_811, %dma_wait3A_812] : memref<4x200x64xf32, #tpu.memory_space<vmem>> -> memref<1x200x64xf32, #tpu.memory_space<vmem>>
    %dma_wait3A_814 = tpu.memref_squeeze %dma_wait3A_813 : memref<1x200x64xf32, #tpu.memory_space<vmem>> -> memref<200x64xf32, #tpu.memory_space<vmem>>
    tpu.wait_dma2 semaphore(%dma_wait3A_806 : memref<!tpu.dma_semaphore, #tpu.memory_space<semaphore_mem>>) src(%dma_wait3A_814 : memref<200x64xf32, #tpu.memory_space<vmem>>) dst(%dma_wait3A_810 : memref<200x64xf32, #tpu.memory_space<hbm>>)
    %add3A_815 = arith.constant 127 : i32
    %add3A_816 = arith.addi %mul3A_2, %add3A_815 : i32
    %dma_wait3A_817 = arith.constant 3 : i32
    %dma_wait3A_818 = arith.constant 3 : i32
    %dma_wait3A_819 = arith.constant 0 : i32
    %dma_wait3A_820 = arith.constant 0 : i32
    %dma_wait3A_821 = tpu.memref_slice %arg6[%dma_wait3A_817, %dma_wait3A_819, %dma_wait3A_820] : memref<4x200x64xf32, #tpu.memory_space<vmem>> -> memref<1x200x64xf32, #tpu.memory_space<vmem>>
    %dma_wait3A_822 = tpu.memref_squeeze %dma_wait3A_821 : memref<1x200x64xf32, #tpu.memory_space<vmem>> -> memref<200x64xf32, #tpu.memory_space<vmem>>
    %dma_wait3A_823 = arith.constant 0 : i32
    %dma_wait3A_824 = arith.constant 0 : i32
    %dma_wait3A_825 = tpu.memref_slice %arg4[%add3A_816, %dma_wait3A_823, %dma_wait3A_824] : memref<4096x200x64xf32, #tpu.memory_space<hbm>> -> memref<1x200x64xf32, #tpu.memory_space<hbm>>
    %dma_wait3A_826 = tpu.memref_squeeze %dma_wait3A_825 : memref<1x200x64xf32, #tpu.memory_space<hbm>> -> memref<200x64xf32, #tpu.memory_space<hbm>>
    %dma_wait3A_827 = tpu.memref_slice %arg8[%dma_wait3A_818] : memref<4x!tpu.dma_semaphore, #tpu.memory_space<semaphore_mem>> -> memref<1x!tpu.dma_semaphore, #tpu.memory_space<semaphore_mem>>
    %dma_wait3A_828 = tpu.memref_squeeze %dma_wait3A_827 : memref<1x!tpu.dma_semaphore, #tpu.memory_space<semaphore_mem>> -> memref<!tpu.dma_semaphore, #tpu.memory_space<semaphore_mem>>
    %dma_wait3A_829 = arith.constant 0 : i32
    %dma_wait3A_830 = arith.constant 0 : i32
    %dma_wait3A_831 = tpu.memref_slice %arg4[%add3A_816, %dma_wait3A_829, %dma_wait3A_830] : memref<4096x200x64xf32, #tpu.memory_space<hbm>> -> memref<1x200x64xf32, #tpu.memory_space<hbm>>
    %dma_wait3A_832 = tpu.memref_squeeze %dma_wait3A_831 : memref<1x200x64xf32, #tpu.memory_space<hbm>> -> memref<200x64xf32, #tpu.memory_space<hbm>>
    %dma_wait3A_833 = arith.constant 0 : i32
    %dma_wait3A_834 = arith.constant 0 : i32
    %dma_wait3A_835 = tpu.memref_slice %arg6[%dma_wait3A_817, %dma_wait3A_833, %dma_wait3A_834] : memref<4x200x64xf32, #tpu.memory_space<vmem>> -> memref<1x200x64xf32, #tpu.memory_space<vmem>>
    %dma_wait3A_836 = tpu.memref_squeeze %dma_wait3A_835 : memref<1x200x64xf32, #tpu.memory_space<vmem>> -> memref<200x64xf32, #tpu.memory_space<vmem>>
    tpu.wait_dma2 semaphore(%dma_wait3A_828 : memref<!tpu.dma_semaphore, #tpu.memory_space<semaphore_mem>>) src(%dma_wait3A_836 : memref<200x64xf32, #tpu.memory_space<vmem>>) dst(%dma_wait3A_832 : memref<200x64xf32, #tpu.memory_space<hbm>>)
    return
  }
}

</mosaic_0001>

<sc_bundles>
// kernel: _embed_gather.3.cloned.1.call-start
scs
__scs_entry_jumppad:
0x0: {  	(pc) =	sbr.rel $0x88, $3  }
0x1: {  	(tag) =	ssettag $0x0;
	lr =	simm.s32 $0x1  }
0x2: {  	[smem:$0x3F9F] =	sst lr;
	_ =	strace $0xD0000000  }
0x3: {  	_ = 	snop  }
0x4: {  	_ = 	snop  }
0x5: {  	_ = 	snop  }
0x6: {  	_ = 	snop  }
0x7: {  	_ = 	snop  }
__scs_overlays_trampoline_lowered:
0x8: {  	[smem:$0x3FAE] =	sst s0  }
0x9: {  	[smem:$0x3FAF] =	sst s1  }
0xa: {  	[smem:$0x3FB0] =	sst s2  }
0xb: {  	[smem:$0x3FB1] =	sst s3  }
0xc: {  	[smem:$0x3FB2] =	sst s4  }
0xd: {  	[smem:$0x3FB3] =	sst s5  }
0xe: {  	[smem:$0x3FB4] =	sst s6  }
0xf: {  	[smem:$0x3FB5] =	sst s7  }
0x10: {  	[smem:$0x3FB6] =	sst s8  }
0x11: {  	[smem:$0x3FB7] =	sst s9;
	s0 =	simm.s32 @!p0 $0x0  }
0x12: {  	s1 =	sld [smem:$0x3F9D];
	s0 =	simm.s32 @p0 $0x1  }
0x13: {  	[smem:$0x3FB8] =	sst s0;
	s0 =	simm.s32 @!p1 $0x0  }
0x14: {  	s2 =	sld [smem:$0x3F9C];
	s0 =	simm.s32 @p1 $0x1  }
0x15: {  	[smem:$0x3FB9] =	sst s0;
	s0 =	simm.s32 @!p2 $0x0  }
0x16: {  	s3 =	sld [smem:$0x3FDB];
	s0 =	simm.s32 @p2 $0x1  }
0x17: {  	s4 =	simm.s32 $0x1BF5;
	[smem:$0x3FBB] =	sst s0  }
0x18: {  	s0 =	sld [smem:$0x3F9E];
	_ =	swait.ge [sflag:s4], $0x0  }
0x19: {  	s7 =	sld [smem:$0x3F9F]  }
0x1a: {  	s8 =	sadd.s32 $0xFFFFE003, lr  }
0x1b: {  	s9 =	sadd.s32 $0xFFFFFEF7, lr;
	s5 =	simm.s32 $0xFFFFFFFF;
	p2 =	slt.u32 s8, $0xFFFFF086  }
0x1c: {  	p1 =	slt.u32 s9, $0xF7A;
	s5 =	simm.s32 @!p2 $0x0  }
0x1d: {  	s5 =	simm.s32 @p1 $0x1;
	p0 =	seq.s32 s7, s2  }
0x1e: {  	s7 =	smul.u32 @!p0 $0xF7A, s2;
	p2 =	seq.s32 @!p0 s5, $0x0  }
0x1f: {  	s9 =	smul.u32 $0xF7A, s1;
	s8 =	simm.s32 @!p0 $0x1BF5;
	p2 =	por !p2, p0  }
0x20: {  	[sflag:s8] =	ssyncset.s32 @!p0 $0xFFFFF086;
	s6 =	sadd.s32 @!p0 s3, s7;
	s7 =	simm.s32 @!p0 $0x108  }
0x21: {  	s3 =	sadd.s32 s3, s9;
	s6 =	sadd.s32 @!p0 $0x88, s6;
	s7 =	simm.s32 @p2 $0x1082  }
0x22: {  	[simem:s7], [sflag:s8] =	dma.local @!p0 [hbm:s6], $0xF7A  }
0x23: {  	s9 =	sor.u32 $0xD0000000, s2;
	s6 =	simm.s32 $0x108;
	_ =	swait.ge @!p0 [sflag:s8], $0x0  }
0x24: {  	s3 =	sadd.s32 $0x88, s3;
	s6 =	simm.s32 @!p1 $0x1082;
	[sflag:s4] =	ssyncset.s32 $0xFFFFF086  }
0x25: {  	[simem:s6], [sflag:s4] =	dma.local [hbm:s3], $0xF7A  }
0x26: {  	[smem:$0x3F9F] =	sst s1;
	(tag) =	ssettag s2;
	_ =	strace s9  }
0x27: {  	s1 =	sld [smem:$0x3FAF]  }
0x28: {  	s2 =	sld [smem:$0x3FB0]  }
0x29: {  	s4 =	sld [smem:$0x3FB2]  }
0x2a: {  	p0 =	seq.s32 s5, $0x0;
	s5 =	sld [smem:$0x3FB3]  }
0x2b: {  	s6 =	sld [smem:$0x3FB4]  }
0x2c: {  	s7 =	sld [smem:$0x3FB5]  }
0x2d: {  	s3 =	simm.s32 $0x108;
	s8 =	sld [smem:$0x3FB6]  }
0x2e: {  	s3 =	simm.s32 @!p0 $0x1082;
	s9 =	sld [smem:$0x3FB7]  }
0x2f: {  	lr =	sadd.s32 s0, s3;
	s0 =	sld [smem:$0x3FAE]  }
0x30: {  	s3 =	sld [smem:$0x3FB1]  }
0x31: {  	[smem:$0x3FBA] =	sst s10  }
0x32: {  	s10 =	sld [smem:$0x3FB8];
	_ =	sdelay $0x3  }
0x33: {  	p0 =	seq.s32 s10, $0x1;
	s10 =	sld [smem:$0x3FBA];
	_ =	sdelay $0x3  }
0x34: {  	[smem:$0x3FBA] =	sst s10  }
0x35: {  	s10 =	sld [smem:$0x3FB9];
	_ =	sdelay $0x3  }
0x36: {  	p1 =	seq.s32 s10, $0x1;
	s10 =	sld [smem:$0x3FBA];
	_ =	sdelay $0x3  }
0x37: {  	[smem:$0x3FBA] =	sst s10  }
0x38: {  	s10 =	sld [smem:$0x3FBB]  }
0x39: {  	_ = 	snop;
	(pc) =	sbr.ind lr, $3  }
0x3a: {  	_ = 	snop  }
0x3b: {  	_ = 	snop  }
0x3c: {  	p2 =	seq.s32 s10, $0x1;
	s10 =	sld [smem:$0x3FBA]  }
0x3d: {  	_ =	shalt  }
0x3e: {  	_ =	shalt  }
0x3f: {  	_ =	shalt  }
0x40: {  	_ =	shalt  }
0x41: {  	_ =	shalt  }
0x42: {  	_ =	shalt  }
0x43: {  	_ =	shalt  }
0x44: {  	_ =	shalt  }
0x45: {  	_ =	shalt  }
0x46: {  	_ =	shalt  }
0x47: {  	_ =	shalt  }
0x48: {  	_ =	shalt  }
0x49: {  	_ =	shalt  }
0x4a: {  	_ =	shalt  }
0x4b: {  	_ =	shalt  }
0x4c: {  	_ =	shalt  }
0x4d: {  	_ =	shalt  }
0x4e: {  	_ =	shalt  }
0x4f: {  	_ =	shalt  }
0x50: {  	_ =	shalt  }
0x51: {  	_ =	shalt  }
0x52: {  	_ =	shalt  }
0x53: {  	_ =	shalt  }
0x54: {  	_ =	shalt  }
0x55: {  	_ =	shalt  }
0x56: {  	_ =	shalt  }
0x57: {  	_ =	shalt  }
0x58: {  	_ =	shalt  }
0x59: {  	_ =	shalt  }
0x5a: {  	_ =	shalt  }
0x5b: {  	_ =	shalt  }
0x5c: {  	_ =	shalt  }
0x5d: {  	_ =	shalt  }
0x5e: {  	_ =	shalt  }
0x5f: {  	_ =	shalt  }
0x60: {  	_ =	shalt  }
0x61: {  	_ =	shalt  }
0x62: {  	_ =	shalt  }
0x63: {  	_ =	shalt  }
0x64: {  	_ =	shalt  }
0x65: {  	_ =	shalt  }
0x66: {  	_ =	shalt  }
0x67: {  	_ =	shalt  }
0x68: {  	_ =	shalt  }
0x69: {  	_ =	shalt  }
0x6a: {  	_ =	shalt  }
0x6b: {  	_ =	shalt  }
0x6c: {  	_ =	shalt  }
0x6d: {  	_ =	shalt  }
0x6e: {  	_ =	shalt  }
0x6f: {  	_ =	shalt  }
0x70: {  	_ =	shalt  }
0x71: {  	_ =	shalt  }
0x72: {  	_ =	shalt  }
0x73: {  	_ =	shalt  }
0x74: {  	_ =	shalt  }
0x75: {  	_ =	shalt  }
0x76: {  	_ =	shalt  }
0x77: {  	_ =	shalt  }
0x78: {  	_ =	shalt  }
0x79: {  	_ =	shalt  }
0x7a: {  	_ =	shalt  }
0x7b: {  	_ =	shalt  }
0x7c: {  	_ =	shalt  }
0x7d: {  	_ =	shalt  }
0x7e: {  	_ =	shalt  }
0x7f: {  	_ =	shalt  }
0x80: {  	_ =	shalt  }
0x81: {  	_ =	shalt  }
0x82: {  	_ =	shalt  }
0x83: {  	_ =	shalt  }
0x84: {  	_ =	shalt  }
0x85: {  	_ =	shalt  }
0x86: {  	_ =	shalt  }
0x87: {  	_ =	shalt  }
.Lfunc_end0:
.L_simem_size_0:
called_computation.1_lowered:
.L_overlay_start_0:
0x88: {  	s2 =	sld [smem:$0x3FD9]  }
0x89: {  	s3 =	sld [smem:$0x3FFE];
	_ =	sdelay $0x1  }
0x8a: {  	s1 =	srdreg.scid  }
0x8b: {  	s0 =	sand.u32 $0x1, s1  }
0x8c: {  	s17 =	sshll.u32 s0, $0xA;
	s2 =	sadd.s32 s3, s2  }
0x8d: {  	s2 =	sadd.s32 s2, s17  }
0x8e: {  	[smem:$0x3FC6] =	sst s2  }
0x8f: {  	_ = 	snop  }
0x90: {  	s2 =	sld [smem:$0x3FD0];
	(tm) =	ssettm $0x1  }
0x91: {  	s18 =	sld [smem:$0x3FFB];
	_ =	sdelay $0x3  }
0x92: {  	_ =	strace s18  }
0x93: {  	s3 =	sld [smem:$0x3FFC];
	_ =	sdelay $0x3  }
0x94: {  	_ =	strace s3  }
0x95: {  	s3 =	sld [smem:$0x3FFD];
	_ =	sdelay $0x3  }
0x96: {  	_ =	strace s3  }
0x97: {  	_ =	strace $0x8FFFFFFF  }
0x98: {  	s19 =	sld [smem:$0x3FDB];
	_ =	sdelay $0x1  }
0x99: {  	s4 =	simm.s32 $_scs_section_size  }
0x9a: {  	s5 =	simm.s32 $_size__tile_overlayer_lowered;
	s6 =	simm.s32 $_tile_overlayer_lowered  }
0x9b: {  	s22 =	simm.s32 $0x1BFF;
	s21 =	sshll.u32 s6, $0x1;
	s3 =	sadd.s32 s4, s19  }
0x9c: {  	s7 =	simm.s32 $0x0;
	s20 =	sshll.u32 s5, $0x1;
	s5 =	sadd.s32 s21, s3  }
0x9d: {  	[timem:s7], [sflag:s22] =	dma.local [hbm:s5], s20  }
0x9e: {  	_ =	swait.ge [sflag:s22], s20  }
0x9f: {  	s4 =	ssub.s32 $0x0, s20;
	[sflag:s22] =	ssyncset.done $0x0  }
0xa0: {  	[sflag:s22] =	ssyncadd.s32 s4;
	_ =	sdelay $0x1  }
0xa1: {  	s23 =	simm.s32 $0x1B8B  }
0xa2: {  	_ =	swait.ge [sflag:s23], $0x1  }
0xa3: {  	[sflag:s23] =	ssyncset.done $0x0  }
0xa4: {  	s25 =	simm.s32 $0x1B8E;
	s24 =	sld [smem:$0x3FFE];
	[sflag:s23] =	ssyncadd.s32 $0xFFFFFFFF  }
0xa5: {  	s26 =	simm.s32 $execute0_lowered;
	[smem:$0x3FD2] =	sst s25  }
0xa6: {  	s5 =	sshll.u32 s26, $0x1;
	_ =	strace $0x80000046;
	[dreg:$0x1] =	wrdreg $0xFFFFFFFF  }
0xa7: {  	s28 =	simm.s32 $_size_execute0_lowered;
	s3 =	sadd.s32 s3, s5;
	[dreg:$0x0] =	wrdreg $0x0  }
0xa8: {  	s5 =	sshll.u32 s28, $0x1;
	[dreg:$0x2] =	wrdreg s3  }
0xa9: {  	[dreg:$0x3] =	wrdreg s5  }
0xaa: {  	[dreg:$0x4] =	wrdreg $0xC0  }
0xab: {  	_ =	task [dreg:s7], $0x5FFFF  }
0xac: {  	[dreg:$0x1] =	wrdreg $0xFFFFFFFF  }
0xad: {  	[dreg:$0x0] =	wrdreg $0x60  }
0xae: {  	[dreg:$0x2] =	wrdreg s24  }
0xaf: {  	[dreg:$0x3] =	wrdreg s2  }
0xb0: {  	[dreg:$0x4] =	wrdreg $0x9  }
0xb1: {  	_ =	task.clear_ibuf [dreg:s7], $0x5FFFF;
	_ =	strace $0x90000046  }
0xb2: {  	s29 =	simm.s32 $0x9;
	_ =	strace $0x80000048  }
0xb3: {  	_ =	swait.ge [sflag:s29], $0x1  }
0xb4: {  	[sflag:s29] =	ssyncadd.s32 $0xFFFFFFFF  }
0xb5: {  	_ =	strace $0x90000048  }
0xb6: {  	_ =	sfence  }
0xb7: {  	s30 =	sld [smem:$0x0];
	_ =	sdelay $0x2  }
0xb8: {  	s31 =	sshll.u32 s1, $0xD;
	s1 =	sshrl.u32 s1, $0x2  }
0xb9: {  	s3 =	sand.u32 $0x4000, s31;
	s1 =	sadd.s32 s1, s30  }
0xba: {  	s0 =	sor.u32 s3, s0;
	s1 =	sshll.u32 s1, $0x11  }
0xbb: {  	s0 =	sor.u32 s1, s0  }
0xbc: {  	s0 =	sadd.s32 $0x8F2B, s0  }
0xbd: {  	[sflag:s0] =	ssyncadd.remote.s32 $0x1  }
0xbe: {  	_ =	sfence.sel $0xFFFF  }
0xbf: {  	[dreg:$0x0] =	wrdreg $0xFFFFFFFF;
	(pc) =	sbr.abs _section_cstart, $3  }
0xc0: {  	[dreg:$0x1] =	wrdreg $0xFFFFFFFF  }
0xc1: {  	_ =	task.clear_ibuf [dreg:s7], $0x2FFFF;
	_ =	strace $0x9FFFFFFF  }
0xc2: {  	(tm) =	ssettm $0x7FFFFFFF  }
0xc3: {  	_ =	shalt  }
tec
execute0_lowered:
.L_overlay_start_1:
0x0: {  	(tag) =	ssettag $0x1  }
0x1: {  	s0 =	rddreg [dreg:$0x0]  }
0x2: {  	s1 =	rddreg [dreg:$0x1]  }
0x3: {  	s2 =	srdreg.scid;
	s9 =	stileid.u32;
	s15 =	simm.s32 $0x9  }
0x4: {  	s16 =	simm.s32 $0x68;
	s17 =	simm.s32 $0x8000;
	s18 =	simm.s32 $0x60  }
0x5: {  	s19 =	simm.s32 $0x9A00;
	s29 =	simm.s32 $0xFE00;
	s30 =	simm.s32 $0x2  }
0x6: {  	s28 =	simm.s32 $0x6;
	s31 =	simm.s32 $0x7;
	s5 =	sand.u32 $0x1, s2  }
0x7: {  	s2 =	simm.s32 $0x0;
	s3 =	sshll.u32 s9, $0x8;
	s23 =	smul.u32 $0x64000, s9  }
0x8: {  	s4 =	sshll.u32 s5, $0x7;
	[smem:$0x7FF] =	sst s2;
	s20 =	ssub.s32 $0x2, s5  }
0x9: {  	s5 =	smul.u32 $0x32000, s5;
	s6 =	sor.u32 s4, s3;
	_ =	strace $0x80000047  }
0xa: {  	s8 =	sshrl.u32 s20, $0x1;
	s3 =	sshll.u32 s6, $0x5;
	s4 =	smul.u32 $0x640, s6  }
0xb: {  	s6 =	smul.u32 $0x3200, s6;
	s7 =	sadd.s32 s3, s0;
	s3 =	sadd.s32 $0xF42E00, s0  }
0xc: {  	s0 =	ssub.s32 s20, s8;
	s20 =	simm.s32 $0x13000;
	s4 =	sadd.s32 s1, s4  }
0xd: {  	s7 =	sadd.s32 $0xA00, s7;
	s6 =	sshrl.u32 s6, $0x3;
	s13 =	smax.u32 s0, $0x1  }
0xe: {  	s0 =	simm.s32 $0x11600;
	[dreg:$0x3] =	wrdreg s7;
	s21 =	sadd.s32 $0x640, s4  }
0xf: {  	s22 =	sadd.s32 $0xC80, s4;
	s24 =	sadd.s32 $0x12C0, s4;
	[dreg:$0x4] =	wrdreg s21  }
0x10: {  	s6 =	sadd.s32 s1, s6;
	s1 =	sadd.s32 s23, s1;
	[dreg:$0x5] =	wrdreg s22  }
0x11: {  	s23 =	simm.s32 $0xCC00;
	[dreg:$0x6] =	wrdreg s24;
	s25 =	sadd.s32 $0x30700, s6  }
0x12: {  	s26 =	sadd.s32 $0x30D40, s6;
	s11 =	sadd.s32 $0x31380, s6;
	s12 =	sadd.s32 $0x319C0, s6  }
0x13: {  	s1 =	sadd.s32 s5, s1;
	s21 =	simm.s32 $0xB200;
	s24 =	simm.s32 $0x1  }
0x14: {  	s22 =	simm.s32 $0x3;
	s5 =	simm.s32 $0x8;
	[dreg:$0x7] =	wrdreg s25  }
0x15: {  	s6 =	simm.s32 $0x0;
	[dreg:$0x8] =	wrdreg s26;
	s14 =	sadd.s32 $0x1900, s1  }
0x16: {  	s26 =	simm.s32 $0xE400;
	s25 =	simm.s32 $0x5;
	s1 =	simm.s32 $0x4  }
.LBB2_1:
0x17: {  	s7 =	rddreg [dreg:$0x3]  }
0x18: {  	[tilespmem:s2], [sflag:$0x9] =	stream.linear.gather [hbm4b:s7+s2], $0x8000, $0x38;
	[tilespmem:$0x14800] =	vst v63  }
0x19: {  	_ =	swait.ge [sflag:s15], $0x8000  }
0x1a: {  	[sflag:s15] =	ssyncset.done $0x0  }
0x1b: {  	[sflag:s15] =	ssyncadd.s32 $0xFFFF8000  }
0x1c: {  	[tilespmem:s17], [sflag:$0x1] =	stream.indirect.gather [hbm4b:s3+s16], $0x40, s2, s16, $0xb8;
	[tilespmem:$0x14800] =	vst v63  }
0x1d: {  	_ = 	snop  }
0x1e: {  	[tilespmem:s19], [sflag:$0x1] =	stream.indirect.gather [hbm4b:s3+s18], $0x40, s16, s18, $0xb8;
	[tilespmem:$0x14800] =	vst v63  }
0x1f: {  	s9 =	simm.s32 $0x100  }
0x20: {  	[tilespmem:s21], [sflag:$0x2] =	stream.indirect.gather [hbm4b:s3+s16], $0x40, s9, s16, $0xb8;
	[tilespmem:$0x14800] =	vst v63  }
0x21: {  	s10 =	simm.s32 $0x168  }
0x22: {  	[tilespmem:s23], [sflag:$0x2] =	stream.indirect.gather [hbm4b:s3+s18], $0x40, s10, s18, $0xb8;
	[tilespmem:$0x14800] =	vst v63  }
0x23: {  	_ =	swait.ge [sflag:s24], $0x1A00  }
0x24: {  	[sflag:s24] =	ssyncset.done $0x0  }
0x25: {  	[sflag:s24] =	ssyncadd.s32 $0xFFFFE600  }
0x26: {  	_ =	swait.ge [sflag:s24], $0x1800  }
0x27: {  	[sflag:s24] =	ssyncset.done $0x0  }
0x28: {  	[sflag:s24] =	ssyncadd.s32 $0xFFFFE800  }
0x29: {  	[hbm4b:s4+s2] =	stream.linear.scatter [tilespmem:s17], [sflag:$0x5], $0x3200, $0x38;
	[tilespmem:$0x14800] =	vst v63  }
0x2a: {  	s8 =	simm.s32 $0x200  }
0x2b: {  	[tilespmem:s26], [sflag:$0x3] =	stream.indirect.gather [hbm4b:s3+s16], $0x40, s8, s16, $0xb8;
	[tilespmem:$0x14800] =	vst v63  }
0x2c: {  	s9 =	simm.s32 $0x268  }
0x2d: {  	[tilespmem:s29], [sflag:$0x3] =	stream.indirect.gather [hbm4b:s3+s18], $0x40, s9, s18, $0xb8;
	[tilespmem:$0x14800] =	vst v63  }
0x2e: {  	_ =	swait.ge [sflag:s30], $0x1A00  }
0x2f: {  	[sflag:s30] =	ssyncset.done $0x0  }
0x30: {  	[sflag:s30] =	ssyncadd.s32 $0xFFFFE600  }
0x31: {  	_ =	swait.ge [sflag:s30], $0x1800  }
0x32: {  	[sflag:s30] =	ssyncset.done $0x0  }
0x33: {  	s10 =	rddreg [dreg:$0x4];
	[sflag:s30] =	ssyncadd.s32 $0xFFFFE800  }
0x34: {  	[hbm4b:s10+s2] =	stream.linear.scatter [tilespmem:s21], [sflag:$0x6], $0x3200, $0x38;
	[tilespmem:$0x14800] =	vst v63  }
0x35: {  	s8 =	simm.s32 $0x300  }
0x36: {  	[tilespmem:s0], [sflag:$0x4] =	stream.indirect.gather [hbm4b:s3+s16], $0x40, s8, s16, $0xb8;
	[tilespmem:$0x14800] =	vst v63  }
0x37: {  	s9 =	simm.s32 $0x368  }
0x38: {  	[tilespmem:s20], [sflag:$0x4] =	stream.indirect.gather [hbm4b:s3+s18], $0x40, s9, s18, $0xb8;
	[tilespmem:$0x14800] =	vst v63  }
0x39: {  	_ =	swait.ge [sflag:s22], $0x1A00  }
0x3a: {  	[sflag:s22] =	ssyncset.done $0x0  }
0x3b: {  	[sflag:s22] =	ssyncadd.s32 $0xFFFFE600  }
0x3c: {  	_ =	swait.ge [sflag:s22], $0x1800  }
0x3d: {  	[sflag:s22] =	ssyncset.done $0x0  }
0x3e: {  	s10 =	rddreg [dreg:$0x5];
	[sflag:s22] =	ssyncadd.s32 $0xFFFFE800  }
0x3f: {  	[hbm4b:s10+s2] =	stream.linear.scatter [tilespmem:s26], [sflag:$0x7], $0x3200, $0x38;
	[tilespmem:$0x14800] =	vst v63  }
0x40: {  	_ =	swait.ge [sflag:s25], $0x3200  }
0x41: {  	[sflag:s25] =	ssyncset.done $0x0  }
0x42: {  	s8 =	simm.s32 $0x400;
	[sflag:s25] =	ssyncadd.s32 $0xFFFFCE00  }
0x43: {  	[tilespmem:s17], [sflag:$0x1] =	stream.indirect.gather [hbm4b:s3+s16], $0x40, s8, s16, $0xb8;
	[tilespmem:$0x14800] =	vst v63  }
0x44: {  	s9 =	simm.s32 $0x468  }
0x45: {  	[tilespmem:s19], [sflag:$0x1] =	stream.indirect.gather [hbm4b:s3+s18], $0x40, s9, s18, $0xb8;
	[tilespmem:$0x14800] =	vst v63  }
0x46: {  	_ =	swait.ge [sflag:s1], $0x1A00  }
0x47: {  	[sflag:s1] =	ssyncset.done $0x0  }
0x48: {  	[sflag:s1] =	ssyncadd.s32 $0xFFFFE600  }
0x49: {  	_ =	swait.ge [sflag:s1], $0x1800  }
0x4a: {  	[sflag:s1] =	ssyncset.done $0x0  }
0x4b: {  	s10 =	rddreg [dreg:$0x6];
	[sflag:s1] =	ssyncadd.s32 $0xFFFFE800  }
0x4c: {  	[hbm4b:s10+s2] =	stream.linear.scatter [tilespmem:s0], [sflag:$0x8], $0x3200, $0x38;
	[tilespmem:$0x14800] =	vst v63  }
0x4d: {  	_ =	swait.ge [sflag:s28], $0x3200  }
0x4e: {  	[sflag:s28] =	ssyncset.done $0x0  }
0x4f: {  	s8 =	simm.s32 $0x500;
	[sflag:s28] =	ssyncadd.s32 $0xFFFFCE00  }
0x50: {  	[tilespmem:s21], [sflag:$0x2] =	stream.indirect.gather [hbm4b:s3+s16], $0x40, s8, s16, $0xb8;
	[tilespmem:$0x14800] =	vst v63  }
0x51: {  	s9 =	simm.s32 $0x568  }
0x52: {  	[tilespmem:s23], [sflag:$0x2] =	stream.indirect.gather [hbm4b:s3+s18], $0x40, s9, s18, $0xb8;
	[tilespmem:$0x14800] =	vst v63  }
0x53: {  	_ =	swait.ge [sflag:s24], $0x1A00  }
0x54: {  	[sflag:s24] =	ssyncset.done $0x0  }
0x55: {  	[sflag:s24] =	ssyncadd.s32 $0xFFFFE600  }
0x56: {  	_ =	swait.ge [sflag:s24], $0x1800  }
0x57: {  	[sflag:s24] =	ssyncset.done $0x0  }
0x58: {  	[sflag:s24] =	ssyncadd.s32 $0xFFFFE800  }
0x59: {  	[hbm4b:s14+s2] =	stream.linear.scatter [tilespmem:s17], [sflag:$0x5], $0x3200, $0x38;
	[tilespmem:$0x14800] =	vst v63  }
0x5a: {  	_ =	swait.ge [sflag:s31], $0x3200  }
0x5b: {  	[sflag:s31] =	ssyncset.done $0x0  }
0x5c: {  	s10 =	simm.s32 $0x600;
	[sflag:s31] =	ssyncadd.s32 $0xFFFFCE00  }
0x5d: {  	[tilespmem:s26], [sflag:$0x3] =	stream.indirect.gather [hbm4b:s3+s16], $0x40, s10, s16, $0xb8;
	[tilespmem:$0x14800] =	vst v63  }
0x5e: {  	s8 =	simm.s32 $0x668  }
0x5f: {  	[tilespmem:s29], [sflag:$0x3] =	stream.indirect.gather [hbm4b:s3+s18], $0x40, s8, s18, $0xb8;
	[tilespmem:$0x14800] =	vst v63  }
0x60: {  	_ =	swait.ge [sflag:s30], $0x1A00  }
0x61: {  	[sflag:s30] =	ssyncset.done $0x0  }
0x62: {  	[sflag:s30] =	ssyncadd.s32 $0xFFFFE600  }
0x63: {  	_ =	swait.ge [sflag:s30], $0x1800  }
0x64: {  	[sflag:s30] =	ssyncset.done $0x0  }
0x65: {  	s9 =	sadd.s32 $0x640, s14;
	[sflag:s30] =	ssyncadd.s32 $0xFFFFE800  }
0x66: {  	[hbm4b:s9+s2] =	stream.linear.scatter [tilespmem:s21], [sflag:$0x6], $0x3200, $0x38;
	[tilespmem:$0x14800] =	vst v63  }
0x67: {  	_ =	swait.ge [sflag:s5], $0x3200  }
0x68: {  	[sflag:s5] =	ssyncset.done $0x0  }
0x69: {  	s10 =	simm.s32 $0x700;
	[sflag:s5] =	ssyncadd.s32 $0xFFFFCE00  }
0x6a: {  	[tilespmem:s0], [sflag:$0x4] =	stream.indirect.gather [hbm4b:s3+s16], $0x40, s10, s16, $0xb8;
	[tilespmem:$0x14800] =	vst v63  }
0x6b: {  	s8 =	simm.s32 $0x768  }
0x6c: {  	[tilespmem:s20], [sflag:$0x4] =	stream.indirect.gather [hbm4b:s3+s18], $0x40, s8, s18, $0xb8;
	[tilespmem:$0x14800] =	vst v63  }
0x6d: {  	_ =	swait.ge [sflag:s22], $0x1A00  }
0x6e: {  	[sflag:s22] =	ssyncset.done $0x0  }
0x6f: {  	[sflag:s22] =	ssyncadd.s32 $0xFFFFE600  }
0x70: {  	_ =	swait.ge [sflag:s22], $0x1800  }
0x71: {  	[sflag:s22] =	ssyncset.done $0x0  }
0x72: {  	s9 =	sadd.s32 $0xC80, s14;
	[sflag:s22] =	ssyncadd.s32 $0xFFFFE800  }
0x73: {  	[hbm4b:s9+s2] =	stream.linear.scatter [tilespmem:s26], [sflag:$0x7], $0x3200, $0x38;
	[tilespmem:$0x14800] =	vst v63  }
0x74: {  	_ =	swait.ge [sflag:s25], $0x3200  }
0x75: {  	[sflag:s25] =	ssyncset.done $0x0  }
0x76: {  	s10 =	simm.s32 $0x800;
	[sflag:s25] =	ssyncadd.s32 $0xFFFFCE00  }
0x77: {  	[tilespmem:s17], [sflag:$0x1] =	stream.indirect.gather [hbm4b:s3+s16], $0x40, s10, s16, $0xb8;
	[tilespmem:$0x14800] =	vst v63  }
0x78: {  	s8 =	simm.s32 $0x868  }
0x79: {  	[tilespmem:s19], [sflag:$0x1] =	stream.indirect.gather [hbm4b:s3+s18], $0x40, s8, s18, $0xb8;
	[tilespmem:$0x14800] =	vst v63  }
0x7a: {  	_ =	swait.ge [sflag:s1], $0x1A00  }
0x7b: {  	[sflag:s1] =	ssyncset.done $0x0  }
0x7c: {  	[sflag:s1] =	ssyncadd.s32 $0xFFFFE600  }
0x7d: {  	_ =	swait.ge [sflag:s1], $0x1800  }
0x7e: {  	[sflag:s1] =	ssyncset.done $0x0  }
0x7f: {  	s9 =	sadd.s32 $0x12C0, s14;
	[sflag:s1] =	ssyncadd.s32 $0xFFFFE800  }
0x80: {  	[hbm4b:s9+s2] =	stream.linear.scatter [tilespmem:s0], [sflag:$0x8], $0x3200, $0x38;
	[tilespmem:$0x14800] =	vst v63  }
0x81: {  	_ =	swait.ge [sflag:s28], $0x3200  }
0x82: {  	s7 =	simm.s32 $0x1000;
	s10 =	simm.s32 $0x900;
	[sflag:s28] =	ssyncset.done $0x0  }
0x83: {  	s8 =	sadd.s32 $0x1900, s14;
	s9 =	simm.s32 $0x968;
	[sflag:s28] =	ssyncadd.s32 $0xFFFFCE00  }
0x84: {  	[tilespmem:s21], [sflag:$0x2] =	stream.indirect.gather [hbm4b:s3+s16], $0x40, s10, s16, $0xb8;
	[tilespmem:$0x14800] =	vst v63  }
.LBB2_2:
0x85: {  	[tilespmem:s23], [sflag:$0x2] =	stream.indirect.gather [hbm4b:s3+s18], $0x40, s9, s18, $0xb8;
	[tilespmem:$0x14800] =	vst v63  }
0x86: {  	s9 =	smov.u32 s7  }
0x87: {  	p0 =	sne.s32 s7, $0x1D000;
	s7 =	sadd.s32 $0x1000, s7;
	_ =	swait.ge [sflag:s24], $0x1A00  }
0x88: {  	[sflag:s24] =	ssyncset.done $0x0  }
0x89: {  	[sflag:s24] =	ssyncadd.s32 $0xFFFFE600  }
0x8a: {  	_ =	swait.ge [sflag:s24], $0x1800  }
0x8b: {  	[sflag:s24] =	ssyncset.done $0x0  }
0x8c: {  	[sflag:s24] =	ssyncadd.s32 $0xFFFFE800  }
0x8d: {  	[hbm4b:s8+s2] =	stream.linear.scatter [tilespmem:s17], [sflag:$0x5], $0x3200, $0x38;
	[tilespmem:$0x14800] =	vst v63  }
0x8e: {  	_ =	swait.ge [sflag:s31], $0x3200  }
0x8f: {  	s9 =	sshra.s32 s9, $0x2;
	[sflag:s31] =	ssyncset.done $0x0  }
0x90: {  	s10 =	sadd.s32 $0x600, s9;
	[sflag:s31] =	ssyncadd.s32 $0xFFFFCE00  }
0x91: {  	[tilespmem:s26], [sflag:$0x3] =	stream.indirect.gather [hbm4b:s3+s16], $0x40, s10, s16, $0xb8;
	[tilespmem:$0x14800] =	vst v63  }
0x92: {  	s10 =	sadd.s32 $0x668, s9  }
0x93: {  	[tilespmem:s29], [sflag:$0x3] =	stream.indirect.gather [hbm4b:s3+s18], $0x40, s10, s18, $0xb8;
	[tilespmem:$0x14800] =	vst v63  }
0x94: {  	_ =	swait.ge [sflag:s30], $0x1A00  }
0x95: {  	[sflag:s30] =	ssyncset.done $0x0  }
0x96: {  	[sflag:s30] =	ssyncadd.s32 $0xFFFFE600  }
0x97: {  	_ =	swait.ge [sflag:s30], $0x1800  }
0x98: {  	[sflag:s30] =	ssyncset.done $0x0  }
0x99: {  	s10 =	sadd.s32 $0x640, s8;
	[sflag:s30] =	ssyncadd.s32 $0xFFFFE800  }
0x9a: {  	[hbm4b:s10+s2] =	stream.linear.scatter [tilespmem:s21], [sflag:$0x6], $0x3200, $0x38;
	[tilespmem:$0x14800] =	vst v63  }
0x9b: {  	_ =	swait.ge [sflag:s5], $0x3200  }
0x9c: {  	[sflag:s5] =	ssyncset.done $0x0  }
0x9d: {  	s10 =	sadd.s32 $0x700, s9;
	[sflag:s5] =	ssyncadd.s32 $0xFFFFCE00  }
0x9e: {  	[tilespmem:s0], [sflag:$0x4] =	stream.indirect.gather [hbm4b:s3+s16], $0x40, s10, s16, $0xb8;
	[tilespmem:$0x14800] =	vst v63  }
0x9f: {  	s10 =	sadd.s32 $0x768, s9  }
0xa0: {  	[tilespmem:s20], [sflag:$0x4] =	stream.indirect.gather [hbm4b:s3+s18], $0x40, s10, s18, $0xb8;
	[tilespmem:$0x14800] =	vst v63  }
0xa1: {  	_ =	swait.ge [sflag:s22], $0x1A00  }
0xa2: {  	[sflag:s22] =	ssyncset.done $0x0  }
0xa3: {  	[sflag:s22] =	ssyncadd.s32 $0xFFFFE600  }
0xa4: {  	_ =	swait.ge [sflag:s22], $0x1800  }
0xa5: {  	[sflag:s22] =	ssyncset.done $0x0  }
0xa6: {  	s10 =	sadd.s32 $0xC80, s8;
	[sflag:s22] =	ssyncadd.s32 $0xFFFFE800  }
0xa7: {  	[hbm4b:s10+s2] =	stream.linear.scatter [tilespmem:s26], [sflag:$0x7], $0x3200, $0x38;
	[tilespmem:$0x14800] =	vst v63  }
0xa8: {  	_ =	swait.ge [sflag:s25], $0x3200  }
0xa9: {  	[sflag:s25] =	ssyncset.done $0x0  }
0xaa: {  	s10 =	sadd.s32 $0x800, s9;
	[sflag:s25] =	ssyncadd.s32 $0xFFFFCE00  }
0xab: {  	[tilespmem:s17], [sflag:$0x1] =	stream.indirect.gather [hbm4b:s3+s16], $0x40, s10, s16, $0xb8;
	[tilespmem:$0x14800] =	vst v63  }
0xac: {  	s10 =	sadd.s32 $0x868, s9  }
0xad: {  	[tilespmem:s19], [sflag:$0x1] =	stream.indirect.gather [hbm4b:s3+s18], $0x40, s10, s18, $0xb8;
	[tilespmem:$0x14800] =	vst v63  }
0xae: {  	_ =	swait.ge [sflag:s1], $0x1A00  }
0xaf: {  	[sflag:s1] =	ssyncset.done $0x0  }
0xb0: {  	[sflag:s1] =	ssyncadd.s32 $0xFFFFE600  }
0xb1: {  	_ =	swait.ge [sflag:s1], $0x1800  }
0xb2: {  	[sflag:s1] =	ssyncset.done $0x0  }
0xb3: {  	s10 =	sadd.s32 $0x12C0, s8;
	[sflag:s1] =	ssyncadd.s32 $0xFFFFE800  }
0xb4: {  	[hbm4b:s10+s2] =	stream.linear.scatter [tilespmem:s0], [sflag:$0x8], $0x3200, $0x38;
	[tilespmem:$0x14800] =	vst v63  }
.Ltmp0:
0xb5: {  	_ =	swait.ge [sflag:s28], $0x3200;
	(pc) =	sbr.rel @p0 .LBB2_2-.Ltmp0, $4  }
0xb6: {  	[sflag:s28] =	ssyncset.done $0x0  }
0xb7: {  	s10 =	sadd.s32 $0x900, s9;
	[sflag:s28] =	ssyncadd.s32 $0xFFFFCE00  }
0xb8: {  	[tilespmem:s21], [sflag:$0x2] =	stream.indirect.gather [hbm4b:s3+s16], $0x40, s10, s16, $0xb8;
	[tilespmem:$0x14800] =	vst v63  }
0xb9: {  	s8 =	sadd.s32 $0x1900, s8;
	s9 =	sadd.s32 $0x968, s9  }
0xba: {  	[tilespmem:s23], [sflag:$0x2] =	stream.indirect.gather [hbm4b:s3+s18], $0x40, s9, s18, $0xb8;
	[tilespmem:$0x14800] =	vst v63  }
0xbb: {  	_ =	swait.ge [sflag:s24], $0x1A00  }
0xbc: {  	[sflag:s24] =	ssyncset.done $0x0  }
0xbd: {  	[sflag:s24] =	ssyncadd.s32 $0xFFFFE600  }
0xbe: {  	_ =	swait.ge [sflag:s24], $0x1800  }
0xbf: {  	[sflag:s24] =	ssyncset.done $0x0  }
0xc0: {  	s7 =	rddreg [dreg:$0x7];
	[sflag:s24] =	ssyncadd.s32 $0xFFFFE800  }
0xc1: {  	[hbm4b:s7+s2] =	stream.linear.scatter [tilespmem:s17], [sflag:$0x5], $0x3200, $0x38;
	[tilespmem:$0x14800] =	vst v63  }
0xc2: {  	_ =	swait.ge [sflag:s31], $0x3200  }
0xc3: {  	[sflag:s31] =	ssyncset.done $0x0  }
0xc4: {  	s9 =	simm.s32 $0x7E00;
	[sflag:s31] =	ssyncadd.s32 $0xFFFFCE00  }
0xc5: {  	[tilespmem:s26], [sflag:$0x3] =	stream.indirect.gather [hbm4b:s3+s16], $0x40, s9, s16, $0xb8;
	[tilespmem:$0x14800] =	vst v63  }
0xc6: {  	s10 =	simm.s32 $0x7E68  }
0xc7: {  	[tilespmem:s29], [sflag:$0x3] =	stream.indirect.gather [hbm4b:s3+s18], $0x40, s10, s18, $0xb8;
	[tilespmem:$0x14800] =	vst v63  }
0xc8: {  	_ =	swait.ge [sflag:s30], $0x1A00  }
0xc9: {  	[sflag:s30] =	ssyncset.done $0x0  }
0xca: {  	[sflag:s30] =	ssyncadd.s32 $0xFFFFE600  }
0xcb: {  	_ =	swait.ge [sflag:s30], $0x1800  }
0xcc: {  	[sflag:s30] =	ssyncset.done $0x0  }
0xcd: {  	s8 =	rddreg [dreg:$0x8];
	[sflag:s30] =	ssyncadd.s32 $0xFFFFE800  }
0xce: {  	[hbm4b:s8+s2] =	stream.linear.scatter [tilespmem:s21], [sflag:$0x6], $0x3200, $0x38;
	[tilespmem:$0x14800] =	vst v63  }
0xcf: {  	_ =	swait.ge [sflag:s5], $0x3200  }
0xd0: {  	[sflag:s5] =	ssyncset.done $0x0  }
0xd1: {  	s9 =	simm.s32 $0x7F00;
	[sflag:s5] =	ssyncadd.s32 $0xFFFFCE00  }
0xd2: {  	[tilespmem:s0], [sflag:$0x4] =	stream.indirect.gather [hbm4b:s3+s16], $0x40, s9, s16, $0xb8;
	[tilespmem:$0x14800] =	vst v63  }
0xd3: {  	s10 =	simm.s32 $0x7F68  }
0xd4: {  	[tilespmem:s20], [sflag:$0x4] =	stream.indirect.gather [hbm4b:s3+s18], $0x40, s10, s18, $0xb8;
	[tilespmem:$0x14800] =	vst v63  }
0xd5: {  	_ =	swait.ge [sflag:s22], $0x1A00  }
0xd6: {  	[sflag:s22] =	ssyncset.done $0x0  }
0xd7: {  	[sflag:s22] =	ssyncadd.s32 $0xFFFFE600  }
0xd8: {  	_ =	swait.ge [sflag:s22], $0x1800  }
0xd9: {  	[sflag:s22] =	ssyncset.done $0x0  }
0xda: {  	[sflag:s22] =	ssyncadd.s32 $0xFFFFE800  }
0xdb: {  	[hbm4b:s11+s2] =	stream.linear.scatter [tilespmem:s26], [sflag:$0x7], $0x3200, $0x38;
	[tilespmem:$0x14800] =	vst v63  }
0xdc: {  	_ =	swait.ge [sflag:s25], $0x3200  }
0xdd: {  	[sflag:s25] =	ssyncset.done $0x0  }
0xde: {  	[sflag:s25] =	ssyncadd.s32 $0xFFFFCE00  }
0xdf: {  	_ =	swait.ge [sflag:s1], $0x1A00  }
0xe0: {  	[sflag:s1] =	ssyncset.done $0x0  }
0xe1: {  	[sflag:s1] =	ssyncadd.s32 $0xFFFFE600  }
0xe2: {  	_ =	swait.ge [sflag:s1], $0x1800  }
0xe3: {  	[sflag:s1] =	ssyncset.done $0x0  }
0xe4: {  	[sflag:s1] =	ssyncadd.s32 $0xFFFFE800  }
0xe5: {  	[hbm4b:s12+s2] =	stream.linear.scatter [tilespmem:s0], [sflag:$0x8], $0x3200, $0x38;
	[tilespmem:$0x14800] =	vst v63  }
0xe6: {  	_ =	swait.ge [sflag:s28], $0x3200  }
0xe7: {  	[sflag:s28] =	ssyncset.done $0x0  }
0xe8: {  	s6 =	sadd.s32 $0x1, s6;
	[sflag:s28] =	ssyncadd.s32 $0xFFFFCE00  }
0xe9: {  	p0 =	sne.s32 s6, s13;
	_ =	swait.ge [sflag:s31], $0x3200  }
.Ltmp1:
0xea: {  	[sflag:s31] =	ssyncset.done $0x0;
	(pc) =	sbr.rel @p0 .LBB2_1-.Ltmp1, $4  }
0xeb: {  	[sflag:s31] =	ssyncadd.s32 $0xFFFFCE00  }
0xec: {  	_ =	swait.ge [sflag:s5], $0x3200  }
0xed: {  	[sflag:s5] =	ssyncset.done $0x0  }
0xee: {  	[sflag:s5] =	ssyncadd.s32 $0xFFFFCE00  }
0xef: {  	_ =	sfence.sel $0x180000  }
0xf0: {  	[bflag:$0x0] =	sbarrier.arrive $0xFFFF  }
0xf1: {  	_ =	strace $0x90000047  }
0xf2: {  	s0 =	stileid.u32;
	[bflag:$0x2] =	sbarrier.arrive $0xFFFF  }
0xf3: {  	p0 =	sne.s32 s0, $0x0;
	s0 =	rddreg [dreg:$0x2]  }
0xf4: {  	s0 =	sadd.s32 @!p0 $0x100000, s0  }
0xf5: {  	[sflag:s0] =	ssyncadd.tile.s32 @!p0 $0x1;
	_ =	shalt  }
.Lfunc_end2:
_tile_overlayer_lowered:
.L_overlay_start_2:
0xf6: {  	(tag) =	ssettag $0x2  }
0xf7: {  	s0 =	rddreg [dreg:$0x0];
	s2 =	stileid.u32  }
0xf8: {  	s1 =	rddreg [dreg:$0x1];
	p0 =	sne.s32 s2, $0x0  }
0xf9: {  	s3 =	rddreg [dreg:$0x2];
	[bflag:$0x3] =	sbarrier.arrive $0xFFFF;
	s2 =	simm.s32 @!p0 $0x1C09  }
0xfa: {  	[timem:s3], [sflag:s2] =	dma.local @!p0 [hbm:s0], s1  }
0xfb: {  	s0 =	simm.s32 @!p0 $0x9  }
0xfc: {  	_ =	swait.ge @!p0 [sflag:s0], s1  }
0xfd: {  	s1 =	ssub.s32 @!p0 $0x0, s1;
	[sflag:s0] =	ssyncset.done @!p0 $0x0  }
0xfe: {  	[sflag:s0] =	ssyncadd.s32 @!p0 s1  }
0xff: {  	[bflag:$0x3] =	sbarrier.arrive $0xFFFF  }
0x100: {  	_ =	shalt  }

// kernel: sparse-core-data-format-call.cloned.1.call-start
scs
called_computation_lowered:
.L_overlay_start_0:
0x0: {  	s2 =	sld [smem:$0x3FD9]  }
0x1: {  	s3 =	sld [smem:$0x3FFE];
	_ =	sdelay $0x1  }
0x2: {  	s1 =	srdreg.scid  }
0x3: {  	s0 =	sand.u32 $0x1, s1  }
0x4: {  	s18 =	sshll.u32 s0, $0xA;
	s2 =	sadd.s32 s3, s2  }
0x5: {  	s2 =	sadd.s32 s2, s18  }
0x6: {  	[smem:$0x3FC6] =	sst s2  }
0x7: {  	_ = 	snop  }
0x8: {  	s2 =	sld [smem:$0x3FD0];
	(tm) =	ssettm $0x1  }
0x9: {  	s19 =	sld [smem:$0x3FFB];
	_ =	sdelay $0x3  }
0xa: {  	_ =	strace s19  }
0xb: {  	s3 =	sld [smem:$0x3FFC];
	_ =	sdelay $0x3  }
0xc: {  	_ =	strace s3  }
0xd: {  	s3 =	sld [smem:$0x3FFD];
	_ =	sdelay $0x3  }
0xe: {  	_ =	strace s3  }
0xf: {  	_ =	strace $0x8FFFFFFF  }
0x10: {  	s20 =	sld [smem:$0x3FDB];
	_ =	sdelay $0x1  }
0x11: {  	s4 =	simm.s32 $_scs_section_size  }
0x12: {  	s5 =	simm.s32 $_size__tile_overlayer_lowered;
	s6 =	simm.s32 $_tile_overlayer_lowered  }
0x13: {  	s23 =	simm.s32 $0x1BFF;
	s22 =	sshll.u32 s6, $0x1;
	s3 =	sadd.s32 s4, s20  }
0x14: {  	s7 =	simm.s32 $0x0;
	s21 =	sshll.u32 s5, $0x1;
	s5 =	sadd.s32 s22, s3  }
0x15: {  	[timem:s7], [sflag:s23] =	dma.local [hbm:s5], s21  }
0x16: {  	_ =	swait.ge [sflag:s23], s21  }
0x17: {  	s4 =	ssub.s32 $0x0, s21;
	[sflag:s23] =	ssyncset.done $0x0  }
0x18: {  	[sflag:s23] =	ssyncadd.s32 s4;
	_ =	sdelay $0x1  }
0x19: {  	s24 =	simm.s32 $0x1B8B  }
0x1a: {  	_ =	swait.ge [sflag:s24], $0x1  }
0x1b: {  	[sflag:s24] =	ssyncset.done $0x0  }
0x1c: {  	s26 =	simm.s32 $0x1B8E;
	s25 =	sld [smem:$0x3FFE];
	[sflag:s24] =	ssyncadd.s32 $0xFFFFFFFF  }
0x1d: {  	s27 =	simm.s32 $execute0_lowered;
	[smem:$0x3FD2] =	sst s26  }
0x1e: {  	s5 =	sshll.u32 s27, $0x1;
	_ =	strace $0x80000049;
	[dreg:$0x1] =	wrdreg $0xFFFFFFFF  }
0x1f: {  	s28 =	simm.s32 $_size_execute0_lowered;
	s3 =	sadd.s32 s3, s5;
	[dreg:$0x0] =	wrdreg $0x0  }
0x20: {  	s5 =	sshll.u32 s28, $0x1;
	[dreg:$0x2] =	wrdreg s3  }
0x21: {  	[dreg:$0x3] =	wrdreg s5  }
0x22: {  	[dreg:$0x4] =	wrdreg $0xC0  }
0x23: {  	_ =	task [dreg:s7], $0x5FFFF  }
0x24: {  	[dreg:$0x1] =	wrdreg $0xFFFFFFFF  }
0x25: {  	[dreg:$0x0] =	wrdreg $0x60  }
0x26: {  	[dreg:$0x2] =	wrdreg s25  }
0x27: {  	[dreg:$0x3] =	wrdreg s2  }
0x28: {  	[dreg:$0x4] =	wrdreg $0x9  }
0x29: {  	_ =	task.clear_ibuf [dreg:s7], $0x5FFFF;
	_ =	strace $0x90000049  }
0x2a: {  	s29 =	simm.s32 $0x9;
	_ =	strace $0x8000004B  }
0x2b: {  	_ =	swait.ge [sflag:s29], $0x1  }
0x2c: {  	[sflag:s29] =	ssyncadd.s32 $0xFFFFFFFF  }
0x2d: {  	_ =	strace $0x9000004B  }
0x2e: {  	_ =	sfence  }
0x2f: {  	s30 =	sld [smem:$0x0];
	_ =	sdelay $0x2  }
0x30: {  	s31 =	sshll.u32 s1, $0xD;
	s1 =	sshrl.u32 s1, $0x2  }
0x31: {  	s3 =	sand.u32 $0x4000, s31;
	s1 =	sadd.s32 s1, s30  }
0x32: {  	s0 =	sor.u32 s3, s0;
	s1 =	sshll.u32 s1, $0x11  }
0x33: {  	s0 =	sor.u32 s1, s0  }
0x34: {  	s0 =	sadd.s32 $0x8F2B, s0  }
0x35: {  	[sflag:s0] =	ssyncadd.remote.s32 $0x1  }
0x36: {  	_ =	sfence.sel $0xFFFF  }
0x37: {  	[dreg:$0x0] =	wrdreg $0xFFFFFFFF;
	(pc) =	sbr.abs _section_cstart, $3  }
0x38: {  	[dreg:$0x1] =	wrdreg $0xFFFFFFFF  }
0x39: {  	_ =	task.clear_ibuf [dreg:s7], $0x2FFFF;
	_ =	strace $0x9FFFFFFF  }
0x3a: {  	(tm) =	ssettm $0x7FFFFFFF  }
0x3b: {  	_ =	shalt  }
tec
execute0_lowered:
.L_overlay_start_1:
0x0: {  	(tag) =	ssettag $0x1  }
0x1: {  	s0 =	srdreg.scid  }
0x2: {  	s1 =	sshll.u32 s0, $0x4  }
0x3: {  	s0 =	stileid.u32;
	s1 =	sand.u32 $0x10, s1  }
0x4: {  	s1 =	sor.u32 s0, s1  }
0x5: {  	s6 =	rddreg [dreg:$0x0];
	s4 =	simm.s32 $0x1;
	s2 =	sshll.u32 s1, $0x7  }
0x6: {  	s7 =	simm.s32 $0x2;
	s12 =	simm.s32 $0x0;
	s1 =	ssub.s32 $0x1000, s2  }
0x7: {  	s8 =	simm.s32 $0x8000;
	s13 =	simm.s32 $0x0;
	s3 =	sand.u32 $0xF80, s1  }
0x8: {  	s9 =	simm.s32 $0x0;
	s5 =	sshrl.u32 s1, $0xC;
	p0 =	sne.s32 s3, $0x0  }
.Ltmp0:
0x9: {  	s1 =	rddreg [dreg:$0x2];
	s4 =	simm.s32 @!p0 $0x0;
	(pc) =	sbr.rel .LBB1_1-.Ltmp0, $4  }
0xa: {  	s11 =	simm.s32 $0x0;
	s3 =	rddreg [dreg:$0x1];
	s5 =	sadd.s32 s4, s5  }
0xb: {  	_ =	strace $0x8000004A;
	s4 =	simm.s32 $0x1;
	s5 =	smul.u32 $0xC8, s5  }
0xc: {  	s6 =	sadd.s32 $0xA00, s6;
	s10 =	smov.u32 s2;
	[sflag:s4] =	ssyncpa.u1 $0x0  }
0xd: {  	p0 =	por $0x0, $0x0;
	[sflag:s7] =	ssyncpa.u1 $0x0;
	s7 =	sor.u32 $0x1, s5  }
.LBB1_4:
0xe: {  	s16 =	sshll.u32 s13, $0x3;
	s17 =	sand.u32 $0x78, s13  }
0xf: {  	s30 =	sand.u32 $0x7E00, s13;
	s12 =	sshll.u32 s12, $0xF;
	s16 =	sand.u32 $0xC00, s16  }
0x10: {  	[tilespmem:s15+$0x810 ss:$0x81] =	vst.msk $0xffff, v2;
	s31 =	sand.u32 $0x7, s13;
	s16 =	sor.u32 s17, s16;
	s17 =	sadd.s32 s3, s30  }
0x11: {  	[tilespmem:s15+$0x1020 ss:$0x81] =	vst.msk $0xffff, v0;
	s13 =	sshll.u32 s31, $0x12;
	s12 =	sadd.s32 s12, s17;
	s16 =	sshrl.u32 s16, $0x3  }
0x12: {  	[tilespmem:s15+$0x0 ss:$0x81] =	vst.msk $0xffff, v1;
	s13 =	sor.u32 $0x400, s13;
	s12 =	sadd.s32 s16, s12  }
0x13: {  	[hbm4b:s12+s13] =	stream.strided.scatter [tilespmem:s14], [sflag:$0x2], $0x2000, s8, s13, $0x20;
	[tilespmem:$0x8080] =	vst v63  }
.LBB1_5:
0x14: {  	s14 =	sadd.s32 $0x1, s9  }
0x15: {  	s12 =	sadd.s32 $0x1000, s10;
	s16 =	smov.u32 s10;
	p2 =	sgt.s32 s14, $0xC7  }
0x16: {  	s16 =	smov.u32 @p2 s12  }
0x17: {  	s14 =	simm.s32 @p2 $0x0;
	p2 =	sgt.s32 s16, $0xFFF  }
0x18: {  	s16 =	smov.u32 @p2 s2;
	p2 =	sne.s32 s11, s7  }
.Ltmp1:
0x19: {  	p1 =	slt.u32 s11, $0x2;
	(pc) =	sbr.rel @!p2 .LBB1_6-.Ltmp1, $4  }
0x1a: {  	s15 =	simm.s32 @!p1 $0x2  }
0x1b: {  	s13 =	smov.u32 s10;
	p0 =	por !p0, !p0;
	_ =	swait.ge @!p1 [sflag:s15], $0x2000  }
0x1c: {  	s12 =	smov.u32 s9;
	[sflag:s15] =	ssyncset.done @!p1 $0x0;
	s9 =	smov.u32 s14  }
0x1d: {  	s11 =	sadd.s32 $0x1, s11;
	[sflag:s15] =	ssyncadd.s32 @!p1 $0xFFFFE000;
	s10 =	smov.u32 s16  }
.LBB1_1:
0x1e: {  	p1 =	sge.u32 s11, s5  }
0x1f: {  	s14 =	sand.u32 @!p1 $0x1FFFFFF, s9  }
0x20: {  	s15 =	smulhi.u32 @!p1 $0x147AE15, s14;
	_ =	sdelay $0x1  }
0x21: {  	s15 =	smul.u32 @!p1 $0xC8, s15  }
0x22: {  	s16 =	sxor.u32 @!p1 $0xFFFFFFFF, s11;
	s17 =	smul.u32 @!p1 $0xC80, s10  }
0x23: {  	s31 =	sadd.s32 $0xFFFFFFFF, s11;
	s16 =	sshll.u32 @!p1 s16, $0xD;
	s14 =	ssub.s32 @!p1 s14, s15  }
0x24: {  	s15 =	sand.u32 @!p1 $0x2000, s16;
	s16 =	sadd.s32 @!p1 s6, s17;
	s14 =	sshll.u32 @!p1 s14, $0x4  }
0x25: {  	s17 =	simm.s32 @!p1 $0x6400;
	s14 =	sadd.s32 @!p1 s14, s16;
	s16 =	simm.s32 @!p1 $0x40  }
0x26: {  	[tilespmem:s15], [sflag:$0x1] =	stream.strided.gather @!p1 [hbm4b:s14+s16], $0x2000, s17, s16, $0x38;
	[tilespmem:$0x8080] =	vst v63  }
0x27: {  	p1 =	sge.u32 s31, s5  }
.Ltmp2:
0x28: {  	_ = 	snop;
	(pc) =	sbr.rel @p1 .LBB1_5-.Ltmp2, $1  }
0x29: {  	_ =	sdelay $0x3  }
0x2a: {  	s14 =	simm.s32 $0x1  }
0x2b: {  	_ =	swait.ge [sflag:s4], $0x2000;
	s14 =	simm.s32 @!p0 $0x0  }
0x2c: {  	[sflag:s4] =	ssyncset.done $0x0;
	s15 =	sshll.u32 s14, $0xD  }
0x2d: {  	[sflag:s4] =	ssyncadd.s32 $0xFFFFE000;
	s18 =	sor.u32 $0x20, s15  }
0x2e: {  	s14 =	smul.u32 $0x8100, s14;
	v3 =	vld [tilespmem:s18+$0x10]  }
0x2f: {  	s30 =	sand.u32 $0x1, s11;
	v2 =	vld [tilespmem:s18+$0xFFFFFFF0]  }
0x30: {  	s15 =	smul.u32 $0x8100, s30;
	s14 =	sshrl.u32 s14, $0x2;
	v0 =	vld [tilespmem:s18+$0x0]  }
0x31: {  	v1 =	vld [tilespmem:s18+$0xFFFFFFE0];
	s16 =	sor.u32 $0x4000, s14  }
0x32: {  	s31 =	sshrl.u32 s15, $0x2;
	s15 =	sadd.s32 $0x0, s16  }
0x33: {  	s17 =	simm.s32 $0x4;
	s18 =	sadd.s32 $0x40, s18;
	s14 =	sor.u32 $0x4000, s31;
	[tilespmem:s15+$0x1830 ss:$0x81] =	vst.msk $0xffff, v3  }
.LBB1_3:
0x34: {  	v3 =	vld [tilespmem:s18+$0x10];
	p1 =	sne.s32 s17, $0x1FC;
	[tilespmem:s15+$0x810 ss:$0x81] =	vst.msk $0xffff, v2;
	s19 =	smov.u32 s17;
	s17 =	sadd.s32 $0x4, s17  }
.Ltmp3:
0x35: {  	v2 =	vld [tilespmem:s18+$0xFFFFFFF0];
	[tilespmem:s15+$0x1020 ss:$0x81] =	vst.msk $0xffff, v0;
	(pc) =	sbr.rel @p1 .LBB1_3-.Ltmp3, $4  }
0x36: {  	v0 =	vld [tilespmem:s18+$0x0];
	[tilespmem:s15+$0x0 ss:$0x81] =	vst.msk $0xffff, v1  }
0x37: {  	s15 =	sshra.s32 s19, $0x2;
	v1 =	vld [tilespmem:s18+$0xFFFFFFE0]  }
0x38: {  	s15 =	sadd.s32 s15, s16  }
0x39: {  	s18 =	sadd.s32 $0x40, s18;
	[tilespmem:s15+$0x1830 ss:$0x81] =	vst.msk $0xffff, v3  }
.Ltmp4:
0x3a: {  	_ = 	snop;
	(pc) =	sbr.rel .LBB1_4-.Ltmp4, $1  }
0x3b: {  	_ =	sdelay $0x3  }
.LBB1_6:
0x3c: {  	_ =	sfence.sel $0x180000  }
0x3d: {  	s2 =	simm.s32 $0x1;
	[bflag:$0x0] =	sbarrier.arrive $0xFFFF  }
0x3e: {  	s31 =	simm.s32 $0x2;
	[sflag:s2] =	ssyncpa.u1 $0x1  }
0x3f: {  	[sflag:s31] =	ssyncpa.u1 $0x1  }
0x40: {  	p0 =	sne.s32 s0, $0x0;
	_ =	strace $0x9000004A  }
0x41: {  	s0 =	sadd.s32 @!p0 $0x100000, s1;
	[bflag:$0x2] =	sbarrier.arrive $0xFFFF  }
0x42: {  	[sflag:s0] =	ssyncadd.tile.s32 @!p0 $0x1;
	_ =	shalt  }
.Lfunc_end1:
_tile_overlayer_lowered:
.L_overlay_start_2:
0x43: {  	(tag) =	ssettag $0x2  }
0x44: {  	s0 =	rddreg [dreg:$0x0];
	s2 =	stileid.u32  }
0x45: {  	s1 =	rddreg [dreg:$0x1];
	p0 =	sne.s32 s2, $0x0  }
0x46: {  	s3 =	rddreg [dreg:$0x2];
	[bflag:$0x3] =	sbarrier.arrive $0xFFFF;
	s2 =	simm.s32 @!p0 $0x1C01  }
0x47: {  	[timem:s3], [sflag:s2] =	dma.local @!p0 [hbm:s0], s1  }
0x48: {  	s0 =	simm.s32 @!p0 $0x1  }
0x49: {  	_ =	swait.ge @!p0 [sflag:s0], s1  }
0x4a: {  	s1 =	ssub.s32 @!p0 $0x0, s1;
	[sflag:s0] =	ssyncset.done @!p0 $0x0  }
0x4b: {  	[sflag:s0] =	ssyncadd.s32 @!p0 s1  }
0x4c: {  	[bflag:$0x3] =	sbarrier.arrive $0xFFFF  }
0x4d: {  	_ =	shalt  }

</sc_bundles>
